<compile_context>
chip_gen: v7x
topology: tpu7x:2x2x1
jax: 0.10.2.dev20260603
libtpu: 0.0.44.dev20260713+nightly
codegen_flags: <defaults>
</compile_context>

<pallas_src>
import functools

import jax
import jax.numpy as jnp
from jax import lax
from jax.experimental import pallas as pl
from jax.experimental.pallas import tpu as pltpu
from jax.experimental.pallas import tpu_sc as plsc

_NPIX = 4 * 512 * 512
_K = int(0.15 * _NPIX)
_KF = float(_K)
_STEPS = 8

_NB = 1152
_BINBASE = 117 << 6
_NW = 32
_PER_W = _NPIX // _NW
_HROWS = _NB * 16 // 128



def _sem_body(sem_ref, semlab_ref, out_ref):
    x = sem_ref[0, :, 0, :, :]
    lab = semlab_ref[0, 0, :, :]
    m = jnp.max(x, axis=0)
    e = jnp.exp(x - m[None, :, :])
    lse = m + jnp.log(jnp.sum(e, axis=0))
    cls = jax.lax.broadcasted_iota(jnp.int32, (19, 1024, 128), 0)
    picked = jnp.sum(jnp.where(cls == lab[None, :, :], x, 0.0), axis=0)
    out_ref[...] = lse - picked


def _sem_losses(sem_logits, sem):
    return pl.pallas_call(
        _sem_body,
        grid=(_STEPS,),
        in_specs=[
            pl.BlockSpec((1, 19, 1, 1024, 128), lambda g: (g // 2, 0, g % 2, 0, 0)),
            pl.BlockSpec((1, 1, 1024, 128), lambda g: (g // 2, g % 2, 0, 0)),
        ],
        out_specs=pl.BlockSpec((1024, 128), lambda g: (g, 0)),
        out_shape=jax.ShapeDtypeStruct((8192, 128), jnp.float32),
    )(sem_logits.reshape(4, 19, 2, 1024, 128), sem.reshape(4, 2, 1024, 128))


def _cnt_body(cntlog_ref, cntlab_ref, out_ref):
    z = cntlog_ref[...]
    y = cntlab_ref[...]
    out_ref[...] = (jnp.maximum(z, 0.0) - z * y
                    + jnp.log1p(jnp.exp(-jnp.abs(z))))


def _cnt_losses(cnt_logits, cnt):
    return pl.pallas_call(
        _cnt_body,
        grid=(1,),
        in_specs=[
            pl.BlockSpec((8192, 128), lambda g: (0, 0)),
            pl.BlockSpec((8192, 128), lambda g: (0, 0)),
        ],
        out_specs=pl.BlockSpec((8192, 128), lambda g: (0, 0)),
        out_shape=jax.ShapeDtypeStruct((8192, 128), jnp.float32),
    )(cnt_logits.reshape(8192, 128), cnt.reshape(8192, 128))



@functools.cache
def _make_sc_hist():
    return functools.partial(
        pl.kernel,
        mesh=plsc.VectorSubcoreMesh(core_axis_name="c", subcore_axis_name="s"),
        out_type=jax.ShapeDtypeStruct((_NW, 2, _NB * 16), jnp.float32),
        scratch_types=[
            pltpu.VMEM((_PER_W,), jnp.float32),
            pltpu.VMEM((_NB * 16,), jnp.float32),
            pltpu.VMEM((_NB * 16,), jnp.float32),
            pltpu.SemaphoreType.DMA,
        ],
        compiler_params=pltpu.CompilerParams(needs_layout_passes=False),
    )(_sc_hist_body)


def _sc_hist_body(losses_hbm, out_hbm, buf, histc, hists, dsem):
    wid = lax.axis_index("s") * 2 + lax.axis_index("c")
    base = wid * _PER_W
    zeros = jnp.zeros((16,), jnp.float32)
    ones = jnp.ones((16,), jnp.float32)
    lanes = lax.iota(jnp.int32, 16)

    cp = pltpu.async_copy(losses_hbm.at[pl.ds(base, _PER_W)], buf, dsem)

    def zbody(i, carry):
        for j in range(4):
            histc[pl.ds(i * 64 + j * 16, 16)] = zeros
            hists[pl.ds(i * 64 + j * 16, 16)] = zeros
        return carry
    lax.fori_loop(0, _NB // 4, zbody, 0)
    cp.wait()

    def vec(i, c2):
        for j in range(8):
            x = buf[pl.ds(i * 128 + j * 16, 16)]
            bits = lax.bitcast_convert_type(x, jnp.int32)
            b = lax.shift_right_logical(bits, 17) - _BINBASE
            b = jnp.minimum(jnp.maximum(b, 0), _NB - 1)
            addr = b * 16 + lanes
            plsc.addupdate_scatter(histc, [addr], ones)
            plsc.addupdate_scatter(hists, [addr], x)
        return c2
    lax.fori_loop(0, _PER_W // 128, vec, 0)

    pltpu.sync_copy(histc, out_hbm.at[wid, 0])
    pltpu.sync_copy(hists, out_hbm.at[wid, 1])



def _merge_body(hs_ref, hc_ref, out_ref):
    flat = (jax.lax.broadcasted_iota(jnp.int32, (_HROWS, 128), 0) * 128
            + jax.lax.broadcasted_iota(jnp.int32, (_HROWS, 128), 1))
    binv = jax.lax.shift_right_logical(flat, 4)

    total = jnp.float32(0.0)
    for ref in (hs_ref, hc_ref):
        cnt = jnp.sum(ref[:, 0, :, :], axis=0)
        sms = jnp.sum(ref[:, 1, :, :], axis=0)

        lob = jnp.int32(0)
        hib = jnp.int32(_NB)
        for _ in range(11):
            mid = lax.div(lob + hib, jnp.int32(2))
            c_mid = jnp.sum(jnp.where(binv >= mid, cnt, 0.0))
            take = c_mid >= _KF
            lob = jnp.where(take, mid, lob)
            hib = jnp.where(take, hib, mid)
        bstar = lob

        sel = binv >= bstar
        above = binv >= (bstar + 1)
        s_sel = jnp.sum(jnp.where(sel, sms, 0.0))
        c_sel = jnp.sum(jnp.where(sel, cnt, 0.0))
        c_above = jnp.sum(jnp.where(above, cnt, 0.0))

        lo_bits = jnp.full((8, 128), (bstar + _BINBASE) << 17, jnp.int32)
        hi_bits = jnp.full((8, 128), (bstar + 1 + _BINBASE) << 17, jnp.int32)
        lo_e = jnp.max(jax.lax.bitcast_convert_type(lo_bits, jnp.float32))
        hi_e = jnp.max(jax.lax.bitcast_convert_type(hi_bits, jnp.float32))

        csub = jnp.maximum(c_sel - c_above, jnp.float32(1.0))
        excess = jnp.maximum(c_sel - _KF, jnp.float32(0.0))
        drop_mean = lo_e + (hi_e - lo_e) * excess / (jnp.float32(2.0) * csub)
        total = total + (s_sel - excess * drop_mean)

    out_ref[0, 0] = total * jnp.float32(1.0 / _K)


def _merge(hs, hc):
    spec = pl.BlockSpec((_NW, 2, _HROWS, 128), lambda g: (0, 0, 0, 0))
    return pl.pallas_call(
        _merge_body,
        grid=(1,),
        in_specs=[spec, spec],
        out_specs=pl.BlockSpec(memory_space=pltpu.SMEM),
        out_shape=jax.ShapeDtypeStruct((1, 1), jnp.float32),
    )(hs, hc)


def kernel(sem_logits, cnt_logits, sem, cnt):
    lc = _cnt_losses(cnt_logits, cnt)
    hc = _make_sc_hist()(lc.reshape(_NPIX))
    ls = _sem_losses(sem_logits, sem)
    hs = _make_sc_hist()(ls.reshape(_NPIX))
    hs_r = hs.reshape(_NW, 2, _HROWS, 128)
    hc_r = hc.reshape(_NW, 2, _HROWS, 128)
    return _merge(hs_r, hc_r)[0, 0]

# --- scband reference (transcript-rebuilt; emitter-appended) ---
"""Pipeline reference for scband-bcloss-28784870818119 (READ-ONLY COPY).

The authoritative reference and input builder live on the scoring server;
editing this copy changes nothing except your own understanding.
"""

import jax, jax.numpy as jnp
import numpy as np

TOP_K_PERCENT = 0.15


def _bce_with_logits(logits, labels):
    # numerically-stable binary cross entropy with logits (reduction='none')
    return jnp.maximum(logits, 0.0) - logits * labels + jnp.log1p(jnp.exp(-jnp.abs(logits)))


def _bootstrap_mean(pixel_losses, top_k_percent):
    flat = pixel_losses.reshape(-1)
    if top_k_percent == 1.0:
        return flat.mean()
    k = int(top_k_percent * flat.size)
    vals, _ = jax.lax.top_k(flat, k)
    return vals.mean()


def _bootstrap_ce_multiclass(logits, labels, top_k_percent):
    # CrossEntropyLoss(reduction='none') over channel dim 1
    logp = jax.nn.log_softmax(logits, axis=1)
    picked = jnp.take_along_axis(logp, labels[:, None, :, :], axis=1)[:, 0]
    return _bootstrap_mean(-picked, top_k_percent)


def _bootstrap_ce_binary(logits, labels, top_k_percent):
    # BCEWithLogitsLoss(reduction='none'); labels unsqueezed to channel dim
    losses = _bce_with_logits(logits, labels[:, None, :, :])
    return _bootstrap_mean(losses, top_k_percent)


def setup_inputs(seed: int = 0) -> dict:
    key = jax.random.key(seed)
    k1, k2, k3, k4 = jax.random.split(key, 4)
    sem_logits = jax.random.normal(k1, (4, 19, 512, 512), dtype=jnp.float32)
    cnt_logits = jax.random.normal(k2, (4, 1, 512, 512), dtype=jnp.float32)
    sem = jax.random.randint(k3, (4, 512, 512), 0, 19, dtype=jnp.int32)
    cnt = jax.random.uniform(k4, (4, 512, 512), dtype=jnp.float32)
    return {"sem_logits": sem_logits, "cnt_logits": cnt_logits, "sem": sem, "cnt": cnt}


def reference(sem_logits, cnt_logits, sem, cnt):
    # BCLoss.forward: sem head uses multiclass CE (C=19), cnt head uses BCE (C=1)
    sem_ce = _bootstrap_ce_multiclass(sem_logits, sem, TOP_K_PERCENT)
    cnt_ce = _bootstrap_ce_binary(cnt_logits, cnt, TOP_K_PERCENT)
    total_loss = sem_ce + cnt_ce
    return total_loss

if __name__ == "__main__":
    import jax
    _d = setup_inputs()
    print(jax.jit(kernel)(*tuple(_d.values())))

</pallas_src>

<mosaic_0001>
#map = affine_map<(d0, d1) -> (0)>
#map1 = affine_map<(d0, d1) -> (0, 0, 0)>
module attributes {stable_mosaic.version = 14 : i64} {
  func.func @_sc_hist_body(%arg0: i32, %arg1: i32, %arg2: memref<1048576xf32, #tpu.memory_space<hbm>>, %arg3: memref<32x2x18432xf32, #tpu.memory_space<hbm>>, %arg4: memref<32768xf32, #tpu.memory_space<vmem>>, %arg5: memref<18432xf32, #tpu.memory_space<vmem>>, %arg6: memref<18432xf32, #tpu.memory_space<vmem>>, %arg7: memref<!tpu.dma_semaphore, #tpu.memory_space<semaphore_mem>>) attributes {dimension_semantics = [#tpu.dimension_semantics<core_parallel>, #tpu.dimension_semantics<subcore_parallel>], iteration_bounds = array<i64: 2, 16>, scalar_prefetch = 0 : i64, scratch_operands = 4 : i64, tpu.core_type = #tpu.core_type<sc_vector_subcore>, window_params = [{transform_indices = #map}, {transform_indices = #map1}]} {
    %mul3A = arith.constant 2 : i32
    %mul3A_0 = arith.muli %arg1, %mul3A : i32
    %add3A = arith.addi %mul3A_0, %arg0 : i32
    %mul3A_1 = arith.constant 32768 : i32
    %mul3A_2 = arith.muli %add3A, %mul3A_1 : i32
    %broadcast_in_dim3A = arith.constant 0.000000e+00 : f32
    %broadcast_in_dim3A_3 = vector.broadcast %broadcast_in_dim3A : f32 to vector<16xf32>
    %broadcast_in_dim3A_4 = arith.constant 1.000000e+00 : f32
    %broadcast_in_dim3A_5 = vector.broadcast %broadcast_in_dim3A_4 : f32 to vector<16xf32>
    %iota3A = tpu.iota {dimensions = array<i32: 0>} : vector<16xi32>
    %dma_start3A = tpu.memref_slice %arg2[%mul3A_2] : memref<1048576xf32, #tpu.memory_space<hbm>> -> memref<32768xf32, #tpu.memory_space<hbm>>
    %dma_start3A_6 = tpu.memref_slice %arg2[%mul3A_2] : memref<1048576xf32, #tpu.memory_space<hbm>> -> memref<32768xf32, #tpu.memory_space<hbm>>
    tpu.enqueue_dma source(%dma_start3A_6 : memref<32768xf32, #tpu.memory_space<hbm>>) target(%arg4 : memref<32768xf32, #tpu.memory_space<vmem>>) target_semaphore(%arg7 : memref<!tpu.dma_semaphore, #tpu.memory_space<semaphore_mem>>)
    %scan3A = arith.constant 0 : i32
    %scan3A_7 = arith.constant 0 : i32
    %scan3A_8 = arith.constant 288 : i32
    %scan3A_9 = arith.addi %scan3A_7, %scan3A_8 : i32
    %scan3A_10 = arith.constant 1 : i32
    scf.for %scan3A_20 = %scan3A_7 to %scan3A_9 step %scan3A_10  : i32 {
      %mul3A_21 = arith.constant 64 : i32
      %mul3A_22 = arith.muli %scan3A_20, %mul3A_21 : i32
      %add3A_23 = arith.constant 0 : i32
      %add3A_24 = arith.addi %mul3A_22, %add3A_23 : i32
      %swap3A = arith.index_cast %add3A_24 : i32 to index
      %swap3A_25 = tpu.vector_load %arg5[%swap3A] {strides = array<i32>} : memref<18432xf32, #tpu.memory_space<vmem>>, vector<16xf32>,
      tpu.vector_store %arg5[%swap3A], %broadcast_in_dim3A_3 {strides = array<i32>} : memref<18432xf32, #tpu.memory_space<vmem>>, vector<16xf32>,
      %mul3A_26 = arith.constant 64 : i32
      %mul3A_27 = arith.muli %scan3A_20, %mul3A_26 : i32
      %add3A_28 = arith.constant 0 : i32
      %add3A_29 = arith.addi %mul3A_27, %add3A_28 : i32
      %swap3A_30 = arith.index_cast %add3A_29 : i32 to index
      %swap3A_31 = tpu.vector_load %arg6[%swap3A_30] {strides = array<i32>} : memref<18432xf32, #tpu.memory_space<vmem>>, vector<16xf32>,
      tpu.vector_store %arg6[%swap3A_30], %broadcast_in_dim3A_3 {strides = array<i32>} : memref<18432xf32, #tpu.memory_space<vmem>>, vector<16xf32>,
      %mul3A_32 = arith.constant 64 : i32
      %mul3A_33 = arith.muli %scan3A_20, %mul3A_32 : i32
      %add3A_34 = arith.constant 16 : i32
      %add3A_35 = arith.addi %mul3A_33, %add3A_34 : i32
      %swap3A_36 = arith.index_cast %add3A_35 : i32 to index
      %swap3A_37 = tpu.vector_load %arg5[%swap3A_36] {strides = array<i32>} : memref<18432xf32, #tpu.memory_space<vmem>>, vector<16xf32>,
      tpu.vector_store %arg5[%swap3A_36], %broadcast_in_dim3A_3 {strides = array<i32>} : memref<18432xf32, #tpu.memory_space<vmem>>, vector<16xf32>,
      %mul3A_38 = arith.constant 64 : i32
      %mul3A_39 = arith.muli %scan3A_20, %mul3A_38 : i32
      %add3A_40 = arith.constant 16 : i32
      %add3A_41 = arith.addi %mul3A_39, %add3A_40 : i32
      %swap3A_42 = arith.index_cast %add3A_41 : i32 to index
      %swap3A_43 = tpu.vector_load %arg6[%swap3A_42] {strides = array<i32>} : memref<18432xf32, #tpu.memory_space<vmem>>, vector<16xf32>,
      tpu.vector_store %arg6[%swap3A_42], %broadcast_in_dim3A_3 {strides = array<i32>} : memref<18432xf32, #tpu.memory_space<vmem>>, vector<16xf32>,
      %mul3A_44 = arith.constant 64 : i32
      %mul3A_45 = arith.muli %scan3A_20, %mul3A_44 : i32
      %add3A_46 = arith.constant 32 : i32
      %add3A_47 = arith.addi %mul3A_45, %add3A_46 : i32
      %swap3A_48 = arith.index_cast %add3A_47 : i32 to index
      %swap3A_49 = tpu.vector_load %arg5[%swap3A_48] {strides = array<i32>} : memref<18432xf32, #tpu.memory_space<vmem>>, vector<16xf32>,
      tpu.vector_store %arg5[%swap3A_48], %broadcast_in_dim3A_3 {strides = array<i32>} : memref<18432xf32, #tpu.memory_space<vmem>>, vector<16xf32>,
      %mul3A_50 = arith.constant 64 : i32
      %mul3A_51 = arith.muli %scan3A_20, %mul3A_50 : i32
      %add3A_52 = arith.constant 32 : i32
      %add3A_53 = arith.addi %mul3A_51, %add3A_52 : i32
      %swap3A_54 = arith.index_cast %add3A_53 : i32 to index
      %swap3A_55 = tpu.vector_load %arg6[%swap3A_54] {strides = array<i32>} : memref<18432xf32, #tpu.memory_space<vmem>>, vector<16xf32>,
      tpu.vector_store %arg6[%swap3A_54], %broadcast_in_dim3A_3 {strides = array<i32>} : memref<18432xf32, #tpu.memory_space<vmem>>, vector<16xf32>,
      %mul3A_56 = arith.constant 64 : i32
      %mul3A_57 = arith.muli %scan3A_20, %mul3A_56 : i32
      %add3A_58 = arith.constant 48 : i32
      %add3A_59 = arith.addi %mul3A_57, %add3A_58 : i32
      %swap3A_60 = arith.index_cast %add3A_59 : i32 to index
      %swap3A_61 = tpu.vector_load %arg5[%swap3A_60] {strides = array<i32>} : memref<18432xf32, #tpu.memory_space<vmem>>, vector<16xf32>,
      tpu.vector_store %arg5[%swap3A_60], %broadcast_in_dim3A_3 {strides = array<i32>} : memref<18432xf32, #tpu.memory_space<vmem>>, vector<16xf32>,
      %mul3A_62 = arith.constant 64 : i32
      %mul3A_63 = arith.muli %scan3A_20, %mul3A_62 : i32
      %add3A_64 = arith.constant 48 : i32
      %add3A_65 = arith.addi %mul3A_63, %add3A_64 : i32
      %swap3A_66 = arith.index_cast %add3A_65 : i32 to index
      %swap3A_67 = tpu.vector_load %arg6[%swap3A_66] {strides = array<i32>} : memref<18432xf32, #tpu.memory_space<vmem>>, vector<16xf32>,
      tpu.vector_store %arg6[%swap3A_66], %broadcast_in_dim3A_3 {strides = array<i32>} : memref<18432xf32, #tpu.memory_space<vmem>>, vector<16xf32>,
    }
    %scan3A_11 = arith.constant 288 : i32
    %dma_wait3A = tpu.memref_slice %arg2[%mul3A_2] : memref<1048576xf32, #tpu.memory_space<hbm>> -> memref<32768xf32, #tpu.memory_space<hbm>>
    %dma_wait3A_12 = tpu.memref_slice %arg2[%mul3A_2] : memref<1048576xf32, #tpu.memory_space<hbm>> -> memref<32768xf32, #tpu.memory_space<hbm>>
    tpu.wait_dma2 semaphore(%arg7 : memref<!tpu.dma_semaphore, #tpu.memory_space<semaphore_mem>>) src(%dma_wait3A_12 : memref<32768xf32, #tpu.memory_space<hbm>>) dst(%arg4 : memref<32768xf32, #tpu.memory_space<vmem>>)
    %scan3A_13 = arith.constant 0 : i32
    %scan3A_14 = arith.constant 0 : i32
    %scan3A_15 = arith.constant 256 : i32
    %scan3A_16 = arith.addi %scan3A_14, %scan3A_15 : i32
    %scan3A_17 = arith.constant 1 : i32
    scf.for %scan3A_20 = %scan3A_14 to %scan3A_16 step %scan3A_17  : i32 {
      %mul3A_21 = arith.constant 128 : i32
      %mul3A_22 = arith.muli %scan3A_20, %mul3A_21 : i32
      %add3A_23 = arith.constant 0 : i32
      %add3A_24 = arith.addi %mul3A_22, %add3A_23 : i32
      %get3A = arith.index_cast %add3A_24 : i32 to index
      %get3A_25 = tpu.vector_load %arg4[%get3A] {strides = array<i32>} : memref<32768xf32, #tpu.memory_space<vmem>>, vector<16xf32>,
      %bitcast_convert_type3A = tpu.bitcast %get3A_25 : vector<16xf32> -> vector<16xi32>
      %shift_right_logical3A = arith.constant 17 : i32
      %shift_right_logical3A_26 = vector.broadcast %shift_right_logical3A : i32 to vector<16xi32>
      %shift_right_logical3A_27 = arith.shrui %bitcast_convert_type3A, %shift_right_logical3A_26 : vector<16xi32>
      %sub3A = arith.constant 7488 : i32
      %sub3A_28 = vector.broadcast %sub3A : i32 to vector<16xi32>
      %sub3A_29 = arith.subi %shift_right_logical3A_27, %sub3A_28 : vector<16xi32>
      %max3A = arith.constant 0 : i32
      %max3A_30 = vector.broadcast %max3A : i32 to vector<16xi32>
      %max3A_31 = arith.maxsi %sub3A_29, %max3A_30 : vector<16xi32>
      %min3A = arith.constant 1151 : i32
      %min3A_32 = vector.broadcast %min3A : i32 to vector<16xi32>
      %min3A_33 = arith.minsi %max3A_31, %min3A_32 : vector<16xi32>
      %mul3A_34 = arith.constant 16 : i32
      %mul3A_35 = vector.broadcast %mul3A_34 : i32 to vector<16xi32>
      %mul3A_36 = arith.muli %min3A_33, %mul3A_35 : vector<16xi32>
      %add3A_37 = arith.addi %mul3A_36, %iota3A : vector<16xi32>
      tpu.vector_store_idx %arg5[%add3A_37], %broadcast_in_dim3A_5 {add = true} : memref<18432xf32, #tpu.memory_space<vmem>>[vector<16xi32>], vector<16xf32>,
      tpu.vector_store_idx %arg6[%add3A_37], %get3A_25 {add = true} : memref<18432xf32, #tpu.memory_space<vmem>>[vector<16xi32>], vector<16xf32>,
      %mul3A_38 = arith.constant 128 : i32
      %mul3A_39 = arith.muli %scan3A_20, %mul3A_38 : i32
      %add3A_40 = arith.constant 16 : i32
      %add3A_41 = arith.addi %mul3A_39, %add3A_40 : i32
      %get3A_42 = arith.index_cast %add3A_41 : i32 to index
      %get3A_43 = tpu.vector_load %arg4[%get3A_42] {strides = array<i32>} : memref<32768xf32, #tpu.memory_space<vmem>>, vector<16xf32>,
      %bitcast_convert_type3A_44 = tpu.bitcast %get3A_43 : vector<16xf32> -> vector<16xi32>
      %shift_right_logical3A_45 = arith.constant 17 : i32
      %shift_right_logical3A_46 = vector.broadcast %shift_right_logical3A_45 : i32 to vector<16xi32>
      %shift_right_logical3A_47 = arith.shrui %bitcast_convert_type3A_44, %shift_right_logical3A_46 : vector<16xi32>
      %sub3A_48 = arith.constant 7488 : i32
      %sub3A_49 = vector.broadcast %sub3A_48 : i32 to vector<16xi32>
      %sub3A_50 = arith.subi %shift_right_logical3A_47, %sub3A_49 : vector<16xi32>
      %max3A_51 = arith.constant 0 : i32
      %max3A_52 = vector.broadcast %max3A_51 : i32 to vector<16xi32>
      %max3A_53 = arith.maxsi %sub3A_50, %max3A_52 : vector<16xi32>
      %min3A_54 = arith.constant 1151 : i32
      %min3A_55 = vector.broadcast %min3A_54 : i32 to vector<16xi32>
      %min3A_56 = arith.minsi %max3A_53, %min3A_55 : vector<16xi32>
      %mul3A_57 = arith.constant 16 : i32
      %mul3A_58 = vector.broadcast %mul3A_57 : i32 to vector<16xi32>
      %mul3A_59 = arith.muli %min3A_56, %mul3A_58 : vector<16xi32>
      %add3A_60 = arith.addi %mul3A_59, %iota3A : vector<16xi32>
      tpu.vector_store_idx %arg5[%add3A_60], %broadcast_in_dim3A_5 {add = true} : memref<18432xf32, #tpu.memory_space<vmem>>[vector<16xi32>], vector<16xf32>,
      tpu.vector_store_idx %arg6[%add3A_60], %get3A_43 {add = true} : memref<18432xf32, #tpu.memory_space<vmem>>[vector<16xi32>], vector<16xf32>,
      %mul3A_61 = arith.constant 128 : i32
      %mul3A_62 = arith.muli %scan3A_20, %mul3A_61 : i32
      %add3A_63 = arith.constant 32 : i32
      %add3A_64 = arith.addi %mul3A_62, %add3A_63 : i32
      %get3A_65 = arith.index_cast %add3A_64 : i32 to index
      %get3A_66 = tpu.vector_load %arg4[%get3A_65] {strides = array<i32>} : memref<32768xf32, #tpu.memory_space<vmem>>, vector<16xf32>,
      %bitcast_convert_type3A_67 = tpu.bitcast %get3A_66 : vector<16xf32> -> vector<16xi32>
      %shift_right_logical3A_68 = arith.constant 17 : i32
      %shift_right_logical3A_69 = vector.broadcast %shift_right_logical3A_68 : i32 to vector<16xi32>
      %shift_right_logical3A_70 = arith.shrui %bitcast_convert_type3A_67, %shift_right_logical3A_69 : vector<16xi32>
      %sub3A_71 = arith.constant 7488 : i32
      %sub3A_72 = vector.broadcast %sub3A_71 : i32 to vector<16xi32>
      %sub3A_73 = arith.subi %shift_right_logical3A_70, %sub3A_72 : vector<16xi32>
      %max3A_74 = arith.constant 0 : i32
      %max3A_75 = vector.broadcast %max3A_74 : i32 to vector<16xi32>
      %max3A_76 = arith.maxsi %sub3A_73, %max3A_75 : vector<16xi32>
      %min3A_77 = arith.constant 1151 : i32
      %min3A_78 = vector.broadcast %min3A_77 : i32 to vector<16xi32>
      %min3A_79 = arith.minsi %max3A_76, %min3A_78 : vector<16xi32>
      %mul3A_80 = arith.constant 16 : i32
      %mul3A_81 = vector.broadcast %mul3A_80 : i32 to vector<16xi32>
      %mul3A_82 = arith.muli %min3A_79, %mul3A_81 : vector<16xi32>
      %add3A_83 = arith.addi %mul3A_82, %iota3A : vector<16xi32>
      tpu.vector_store_idx %arg5[%add3A_83], %broadcast_in_dim3A_5 {add = true} : memref<18432xf32, #tpu.memory_space<vmem>>[vector<16xi32>], vector<16xf32>,
      tpu.vector_store_idx %arg6[%add3A_83], %get3A_66 {add = true} : memref<18432xf32, #tpu.memory_space<vmem>>[vector<16xi32>], vector<16xf32>,
      %mul3A_84 = arith.constant 128 : i32
      %mul3A_85 = arith.muli %scan3A_20, %mul3A_84 : i32
      %add3A_86 = arith.constant 48 : i32
      %add3A_87 = arith.addi %mul3A_85, %add3A_86 : i32
      %get3A_88 = arith.index_cast %add3A_87 : i32 to index
      %get3A_89 = tpu.vector_load %arg4[%get3A_88] {strides = array<i32>} : memref<32768xf32, #tpu.memory_space<vmem>>, vector<16xf32>,
      %bitcast_convert_type3A_90 = tpu.bitcast %get3A_89 : vector<16xf32> -> vector<16xi32>
      %shift_right_logical3A_91 = arith.constant 17 : i32
      %shift_right_logical3A_92 = vector.broadcast %shift_right_logical3A_91 : i32 to vector<16xi32>
      %shift_right_logical3A_93 = arith.shrui %bitcast_convert_type3A_90, %shift_right_logical3A_92 : vector<16xi32>
      %sub3A_94 = arith.constant 7488 : i32
      %sub3A_95 = vector.broadcast %sub3A_94 : i32 to vector<16xi32>
      %sub3A_96 = arith.subi %shift_right_logical3A_93, %sub3A_95 : vector<16xi32>
      %max3A_97 = arith.constant 0 : i32
      %max3A_98 = vector.broadcast %max3A_97 : i32 to vector<16xi32>
      %max3A_99 = arith.maxsi %sub3A_96, %max3A_98 : vector<16xi32>
      %min3A_100 = arith.constant 1151 : i32
      %min3A_101 = vector.broadcast %min3A_100 : i32 to vector<16xi32>
      %min3A_102 = arith.minsi %max3A_99, %min3A_101 : vector<16xi32>
      %mul3A_103 = arith.constant 16 : i32
      %mul3A_104 = vector.broadcast %mul3A_103 : i32 to vector<16xi32>
      %mul3A_105 = arith.muli %min3A_102, %mul3A_104 : vector<16xi32>
      %add3A_106 = arith.addi %mul3A_105, %iota3A : vector<16xi32>
      tpu.vector_store_idx %arg5[%add3A_106], %broadcast_in_dim3A_5 {add = true} : memref<18432xf32, #tpu.memory_space<vmem>>[vector<16xi32>], vector<16xf32>,
      tpu.vector_store_idx %arg6[%add3A_106], %get3A_89 {add = true} : memref<18432xf32, #tpu.memory_space<vmem>>[vector<16xi32>], vector<16xf32>,
      %mul3A_107 = arith.constant 128 : i32
      %mul3A_108 = arith.muli %scan3A_20, %mul3A_107 : i32
      %add3A_109 = arith.constant 64 : i32
      %add3A_110 = arith.addi %mul3A_108, %add3A_109 : i32
      %get3A_111 = arith.index_cast %add3A_110 : i32 to index
      %get3A_112 = tpu.vector_load %arg4[%get3A_111] {strides = array<i32>} : memref<32768xf32, #tpu.memory_space<vmem>>, vector<16xf32>,
      %bitcast_convert_type3A_113 = tpu.bitcast %get3A_112 : vector<16xf32> -> vector<16xi32>
      %shift_right_logical3A_114 = arith.constant 17 : i32
      %shift_right_logical3A_115 = vector.broadcast %shift_right_logical3A_114 : i32 to vector<16xi32>
      %shift_right_logical3A_116 = arith.shrui %bitcast_convert_type3A_113, %shift_right_logical3A_115 : vector<16xi32>
      %sub3A_117 = arith.constant 7488 : i32
      %sub3A_118 = vector.broadcast %sub3A_117 : i32 to vector<16xi32>
      %sub3A_119 = arith.subi %shift_right_logical3A_116, %sub3A_118 : vector<16xi32>
      %max3A_120 = arith.constant 0 : i32
      %max3A_121 = vector.broadcast %max3A_120 : i32 to vector<16xi32>
      %max3A_122 = arith.maxsi %sub3A_119, %max3A_121 : vector<16xi32>
      %min3A_123 = arith.constant 1151 : i32
      %min3A_124 = vector.broadcast %min3A_123 : i32 to vector<16xi32>
      %min3A_125 = arith.minsi %max3A_122, %min3A_124 : vector<16xi32>
      %mul3A_126 = arith.constant 16 : i32
      %mul3A_127 = vector.broadcast %mul3A_126 : i32 to vector<16xi32>
      %mul3A_128 = arith.muli %min3A_125, %mul3A_127 : vector<16xi32>
      %add3A_129 = arith.addi %mul3A_128, %iota3A : vector<16xi32>
      tpu.vector_store_idx %arg5[%add3A_129], %broadcast_in_dim3A_5 {add = true} : memref<18432xf32, #tpu.memory_space<vmem>>[vector<16xi32>], vector<16xf32>,
      tpu.vector_store_idx %arg6[%add3A_129], %get3A_112 {add = true} : memref<18432xf32, #tpu.memory_space<vmem>>[vector<16xi32>], vector<16xf32>,
      %mul3A_130 = arith.constant 128 : i32
      %mul3A_131 = arith.muli %scan3A_20, %mul3A_130 : i32
      %add3A_132 = arith.constant 80 : i32
      %add3A_133 = arith.addi %mul3A_131, %add3A_132 : i32
      %get3A_134 = arith.index_cast %add3A_133 : i32 to index
      %get3A_135 = tpu.vector_load %arg4[%get3A_134] {strides = array<i32>} : memref<32768xf32, #tpu.memory_space<vmem>>, vector<16xf32>,
      %bitcast_convert_type3A_136 = tpu.bitcast %get3A_135 : vector<16xf32> -> vector<16xi32>
      %shift_right_logical3A_137 = arith.constant 17 : i32
      %shift_right_logical3A_138 = vector.broadcast %shift_right_logical3A_137 : i32 to vector<16xi32>
      %shift_right_logical3A_139 = arith.shrui %bitcast_convert_type3A_136, %shift_right_logical3A_138 : vector<16xi32>
      %sub3A_140 = arith.constant 7488 : i32
      %sub3A_141 = vector.broadcast %sub3A_140 : i32 to vector<16xi32>
      %sub3A_142 = arith.subi %shift_right_logical3A_139, %sub3A_141 : vector<16xi32>
      %max3A_143 = arith.constant 0 : i32
      %max3A_144 = vector.broadcast %max3A_143 : i32 to vector<16xi32>
      %max3A_145 = arith.maxsi %sub3A_142, %max3A_144 : vector<16xi32>
      %min3A_146 = arith.constant 1151 : i32
      %min3A_147 = vector.broadcast %min3A_146 : i32 to vector<16xi32>
      %min3A_148 = arith.minsi %max3A_145, %min3A_147 : vector<16xi32>
      %mul3A_149 = arith.constant 16 : i32
      %mul3A_150 = vector.broadcast %mul3A_149 : i32 to vector<16xi32>
      %mul3A_151 = arith.muli %min3A_148, %mul3A_150 : vector<16xi32>
      %add3A_152 = arith.addi %mul3A_151, %iota3A : vector<16xi32>
      tpu.vector_store_idx %arg5[%add3A_152], %broadcast_in_dim3A_5 {add = true} : memref<18432xf32, #tpu.memory_space<vmem>>[vector<16xi32>], vector<16xf32>,
      tpu.vector_store_idx %arg6[%add3A_152], %get3A_135 {add = true} : memref<18432xf32, #tpu.memory_space<vmem>>[vector<16xi32>], vector<16xf32>,
      %mul3A_153 = arith.constant 128 : i32
      %mul3A_154 = arith.muli %scan3A_20, %mul3A_153 : i32
      %add3A_155 = arith.constant 96 : i32
      %add3A_156 = arith.addi %mul3A_154, %add3A_155 : i32
      %get3A_157 = arith.index_cast %add3A_156 : i32 to index
      %get3A_158 = tpu.vector_load %arg4[%get3A_157] {strides = array<i32>} : memref<32768xf32, #tpu.memory_space<vmem>>, vector<16xf32>,
      %bitcast_convert_type3A_159 = tpu.bitcast %get3A_158 : vector<16xf32> -> vector<16xi32>
      %shift_right_logical3A_160 = arith.constant 17 : i32
      %shift_right_logical3A_161 = vector.broadcast %shift_right_logical3A_160 : i32 to vector<16xi32>
      %shift_right_logical3A_162 = arith.shrui %bitcast_convert_type3A_159, %shift_right_logical3A_161 : vector<16xi32>
      %sub3A_163 = arith.constant 7488 : i32
      %sub3A_164 = vector.broadcast %sub3A_163 : i32 to vector<16xi32>
      %sub3A_165 = arith.subi %shift_right_logical3A_162, %sub3A_164 : vector<16xi32>
      %max3A_166 = arith.constant 0 : i32
      %max3A_167 = vector.broadcast %max3A_166 : i32 to vector<16xi32>
      %max3A_168 = arith.maxsi %sub3A_165, %max3A_167 : vector<16xi32>
      %min3A_169 = arith.constant 1151 : i32
      %min3A_170 = vector.broadcast %min3A_169 : i32 to vector<16xi32>
      %min3A_171 = arith.minsi %max3A_168, %min3A_170 : vector<16xi32>
      %mul3A_172 = arith.constant 16 : i32
      %mul3A_173 = vector.broadcast %mul3A_172 : i32 to vector<16xi32>
      %mul3A_174 = arith.muli %min3A_171, %mul3A_173 : vector<16xi32>
      %add3A_175 = arith.addi %mul3A_174, %iota3A : vector<16xi32>
      tpu.vector_store_idx %arg5[%add3A_175], %broadcast_in_dim3A_5 {add = true} : memref<18432xf32, #tpu.memory_space<vmem>>[vector<16xi32>], vector<16xf32>,
      tpu.vector_store_idx %arg6[%add3A_175], %get3A_158 {add = true} : memref<18432xf32, #tpu.memory_space<vmem>>[vector<16xi32>], vector<16xf32>,
      %mul3A_176 = arith.constant 128 : i32
      %mul3A_177 = arith.muli %scan3A_20, %mul3A_176 : i32
      %add3A_178 = arith.constant 112 : i32
      %add3A_179 = arith.addi %mul3A_177, %add3A_178 : i32
      %get3A_180 = arith.index_cast %add3A_179 : i32 to index
      %get3A_181 = tpu.vector_load %arg4[%get3A_180] {strides = array<i32>} : memref<32768xf32, #tpu.memory_space<vmem>>, vector<16xf32>,
      %bitcast_convert_type3A_182 = tpu.bitcast %get3A_181 : vector<16xf32> -> vector<16xi32>
      %shift_right_logical3A_183 = arith.constant 17 : i32
      %shift_right_logical3A_184 = vector.broadcast %shift_right_logical3A_183 : i32 to vector<16xi32>
      %shift_right_logical3A_185 = arith.shrui %bitcast_convert_type3A_182, %shift_right_logical3A_184 : vector<16xi32>
      %sub3A_186 = arith.constant 7488 : i32
      %sub3A_187 = vector.broadcast %sub3A_186 : i32 to vector<16xi32>
      %sub3A_188 = arith.subi %shift_right_logical3A_185, %sub3A_187 : vector<16xi32>
      %max3A_189 = arith.constant 0 : i32
      %max3A_190 = vector.broadcast %max3A_189 : i32 to vector<16xi32>
      %max3A_191 = arith.maxsi %sub3A_188, %max3A_190 : vector<16xi32>
      %min3A_192 = arith.constant 1151 : i32
      %min3A_193 = vector.broadcast %min3A_192 : i32 to vector<16xi32>
      %min3A_194 = arith.minsi %max3A_191, %min3A_193 : vector<16xi32>
      %mul3A_195 = arith.constant 16 : i32
      %mul3A_196 = vector.broadcast %mul3A_195 : i32 to vector<16xi32>
      %mul3A_197 = arith.muli %min3A_194, %mul3A_196 : vector<16xi32>
      %add3A_198 = arith.addi %mul3A_197, %iota3A : vector<16xi32>
      tpu.vector_store_idx %arg5[%add3A_198], %broadcast_in_dim3A_5 {add = true} : memref<18432xf32, #tpu.memory_space<vmem>>[vector<16xi32>], vector<16xf32>,
      tpu.vector_store_idx %arg6[%add3A_198], %get3A_181 {add = true} : memref<18432xf32, #tpu.memory_space<vmem>>[vector<16xi32>], vector<16xf32>,
    }
    %scan3A_18 = arith.constant 256 : i32
    %run_scoped3A = arith.constant 0 : i32
    "tpu.region"() ({
      %run_scoped3A_20 = tpu.sem_alloc : memref<!tpu.dma_semaphore, #tpu.memory_space<semaphore_mem>>
      %dma_start3A_21 = arith.constant 0 : i32
      %dma_start3A_22 = tpu.memref_slice %arg3[%add3A, %run_scoped3A, %dma_start3A_21] : memref<32x2x18432xf32, #tpu.memory_space<hbm>> -> memref<1x1x18432xf32, #tpu.memory_space<hbm>>
      %dma_start3A_23 = tpu.memref_squeeze %dma_start3A_22 : memref<1x1x18432xf32, #tpu.memory_space<hbm>> -> memref<18432xf32, #tpu.memory_space<hbm>>
      %dma_start3A_24 = arith.constant 0 : i32
      %dma_start3A_25 = tpu.memref_slice %arg3[%add3A, %run_scoped3A, %dma_start3A_24] : memref<32x2x18432xf32, #tpu.memory_space<hbm>> -> memref<1x1x18432xf32, #tpu.memory_space<hbm>>
      %dma_start3A_26 = tpu.memref_squeeze %dma_start3A_25 : memref<1x1x18432xf32, #tpu.memory_space<hbm>> -> memref<18432xf32, #tpu.memory_space<hbm>>
      tpu.enqueue_dma source(%arg5 : memref<18432xf32, #tpu.memory_space<vmem>>) target(%dma_start3A_26 : memref<18432xf32, #tpu.memory_space<hbm>>) target_semaphore(%run_scoped3A_20 : memref<!tpu.dma_semaphore, #tpu.memory_space<semaphore_mem>>)
      %dma_wait3A_27 = arith.constant 0 : i32
      %dma_wait3A_28 = tpu.memref_slice %arg3[%add3A, %run_scoped3A, %dma_wait3A_27] : memref<32x2x18432xf32, #tpu.memory_space<hbm>> -> memref<1x1x18432xf32, #tpu.memory_space<hbm>>
      %dma_wait3A_29 = tpu.memref_squeeze %dma_wait3A_28 : memref<1x1x18432xf32, #tpu.memory_space<hbm>> -> memref<18432xf32, #tpu.memory_space<hbm>>
      %dma_wait3A_30 = arith.constant 0 : i32
      %dma_wait3A_31 = tpu.memref_slice %arg3[%add3A, %run_scoped3A, %dma_wait3A_30] : memref<32x2x18432xf32, #tpu.memory_space<hbm>> -> memref<1x1x18432xf32, #tpu.memory_space<hbm>>
      %dma_wait3A_32 = tpu.memref_squeeze %dma_wait3A_31 : memref<1x1x18432xf32, #tpu.memory_space<hbm>> -> memref<18432xf32, #tpu.memory_space<hbm>>
      tpu.wait_dma2 semaphore(%run_scoped3A_20 : memref<!tpu.dma_semaphore, #tpu.memory_space<semaphore_mem>>) src(%arg5 : memref<18432xf32, #tpu.memory_space<vmem>>) dst(%dma_wait3A_32 : memref<18432xf32, #tpu.memory_space<hbm>>)
      tpu.yield
    }) : () -> ()
    %run_scoped3A_19 = arith.constant 1 : i32
    "tpu.region"() ({
      %run_scoped3A_20 = tpu.sem_alloc : memref<!tpu.dma_semaphore, #tpu.memory_space<semaphore_mem>>
      %dma_start3A_21 = arith.constant 0 : i32
      %dma_start3A_22 = tpu.memref_slice %arg3[%add3A, %run_scoped3A_19, %dma_start3A_21] : memref<32x2x18432xf32, #tpu.memory_space<hbm>> -> memref<1x1x18432xf32, #tpu.memory_space<hbm>>
      %dma_start3A_23 = tpu.memref_squeeze %dma_start3A_22 : memref<1x1x18432xf32, #tpu.memory_space<hbm>> -> memref<18432xf32, #tpu.memory_space<hbm>>
      %dma_start3A_24 = arith.constant 0 : i32
      %dma_start3A_25 = tpu.memref_slice %arg3[%add3A, %run_scoped3A_19, %dma_start3A_24] : memref<32x2x18432xf32, #tpu.memory_space<hbm>> -> memref<1x1x18432xf32, #tpu.memory_space<hbm>>
      %dma_start3A_26 = tpu.memref_squeeze %dma_start3A_25 : memref<1x1x18432xf32, #tpu.memory_space<hbm>> -> memref<18432xf32, #tpu.memory_space<hbm>>
      tpu.enqueue_dma source(%arg6 : memref<18432xf32, #tpu.memory_space<vmem>>) target(%dma_start3A_26 : memref<18432xf32, #tpu.memory_space<hbm>>) target_semaphore(%run_scoped3A_20 : memref<!tpu.dma_semaphore, #tpu.memory_space<semaphore_mem>>)
      %dma_wait3A_27 = arith.constant 0 : i32
      %dma_wait3A_28 = tpu.memref_slice %arg3[%add3A, %run_scoped3A_19, %dma_wait3A_27] : memref<32x2x18432xf32, #tpu.memory_space<hbm>> -> memref<1x1x18432xf32, #tpu.memory_space<hbm>>
      %dma_wait3A_29 = tpu.memref_squeeze %dma_wait3A_28 : memref<1x1x18432xf32, #tpu.memory_space<hbm>> -> memref<18432xf32, #tpu.memory_space<hbm>>
      %dma_wait3A_30 = arith.constant 0 : i32
      %dma_wait3A_31 = tpu.memref_slice %arg3[%add3A, %run_scoped3A_19, %dma_wait3A_30] : memref<32x2x18432xf32, #tpu.memory_space<hbm>> -> memref<1x1x18432xf32, #tpu.memory_space<hbm>>
      %dma_wait3A_32 = tpu.memref_squeeze %dma_wait3A_31 : memref<1x1x18432xf32, #tpu.memory_space<hbm>> -> memref<18432xf32, #tpu.memory_space<hbm>>
      tpu.wait_dma2 semaphore(%run_scoped3A_20 : memref<!tpu.dma_semaphore, #tpu.memory_space<semaphore_mem>>) src(%arg6 : memref<18432xf32, #tpu.memory_space<vmem>>) dst(%dma_wait3A_32 : memref<18432xf32, #tpu.memory_space<hbm>>)
      tpu.yield
    }) : () -> ()
    return
  }
}

#map = affine_map<(d0, d1) -> (0)>
#map1 = affine_map<(d0, d1) -> (0, 0, 0)>
module attributes {stable_mosaic.version = 14 : i64} {
  func.func @_sc_hist_body(%arg0: i32, %arg1: i32, %arg2: memref<1048576xf32, #tpu.memory_space<hbm>>, %arg3: memref<32x2x18432xf32, #tpu.memory_space<hbm>>, %arg4: memref<32768xf32, #tpu.memory_space<vmem>>, %arg5: memref<18432xf32, #tpu.memory_space<vmem>>, %arg6: memref<18432xf32, #tpu.memory_space<vmem>>, %arg7: memref<!tpu.dma_semaphore, #tpu.memory_space<semaphore_mem>>) attributes {dimension_semantics = [#tpu.dimension_semantics<core_parallel>, #tpu.dimension_semantics<subcore_parallel>], iteration_bounds = array<i64: 2, 16>, scalar_prefetch = 0 : i64, scratch_operands = 4 : i64, tpu.core_type = #tpu.core_type<sc_vector_subcore>, window_params = [{transform_indices = #map}, {transform_indices = #map1}]} {
    %mul3A = arith.constant 2 : i32
    %mul3A_0 = arith.muli %arg1, %mul3A : i32
    %add3A = arith.addi %mul3A_0, %arg0 : i32
    %mul3A_1 = arith.constant 32768 : i32
    %mul3A_2 = arith.muli %add3A, %mul3A_1 : i32
    %broadcast_in_dim3A = arith.constant 0.000000e+00 : f32
    %broadcast_in_dim3A_3 = vector.broadcast %broadcast_in_dim3A : f32 to vector<16xf32>
    %broadcast_in_dim3A_4 = arith.constant 1.000000e+00 : f32
    %broadcast_in_dim3A_5 = vector.broadcast %broadcast_in_dim3A_4 : f32 to vector<16xf32>
    %iota3A = tpu.iota {dimensions = array<i32: 0>} : vector<16xi32>
    %dma_start3A = tpu.memref_slice %arg2[%mul3A_2] : memref<1048576xf32, #tpu.memory_space<hbm>> -> memref<32768xf32, #tpu.memory_space<hbm>>
    %dma_start3A_6 = tpu.memref_slice %arg2[%mul3A_2] : memref<1048576xf32, #tpu.memory_space<hbm>> -> memref<32768xf32, #tpu.memory_space<hbm>>
    tpu.enqueue_dma source(%dma_start3A_6 : memref<32768xf32, #tpu.memory_space<hbm>>) target(%arg4 : memref<32768xf32, #tpu.memory_space<vmem>>) target_semaphore(%arg7 : memref<!tpu.dma_semaphore, #tpu.memory_space<semaphore_mem>>)
    %scan3A = arith.constant 0 : i32
    %scan3A_7 = arith.constant 0 : i32
    %scan3A_8 = arith.constant 288 : i32
    %scan3A_9 = arith.addi %scan3A_7, %scan3A_8 : i32
    %scan3A_10 = arith.constant 1 : i32
    scf.for %scan3A_20 = %scan3A_7 to %scan3A_9 step %scan3A_10  : i32 {
      %mul3A_21 = arith.constant 64 : i32
      %mul3A_22 = arith.muli %scan3A_20, %mul3A_21 : i32
      %add3A_23 = arith.constant 0 : i32
      %add3A_24 = arith.addi %mul3A_22, %add3A_23 : i32
      %swap3A = arith.index_cast %add3A_24 : i32 to index
      %swap3A_25 = tpu.vector_load %arg5[%swap3A] {strides = array<i32>} : memref<18432xf32, #tpu.memory_space<vmem>>, vector<16xf32>,
      tpu.vector_store %arg5[%swap3A], %broadcast_in_dim3A_3 {strides = array<i32>} : memref<18432xf32, #tpu.memory_space<vmem>>, vector<16xf32>,
      %mul3A_26 = arith.constant 64 : i32
      %mul3A_27 = arith.muli %scan3A_20, %mul3A_26 : i32
      %add3A_28 = arith.constant 0 : i32
      %add3A_29 = arith.addi %mul3A_27, %add3A_28 : i32
      %swap3A_30 = arith.index_cast %add3A_29 : i32 to index
      %swap3A_31 = tpu.vector_load %arg6[%swap3A_30] {strides = array<i32>} : memref<18432xf32, #tpu.memory_space<vmem>>, vector<16xf32>,
      tpu.vector_store %arg6[%swap3A_30], %broadcast_in_dim3A_3 {strides = array<i32>} : memref<18432xf32, #tpu.memory_space<vmem>>, vector<16xf32>,
      %mul3A_32 = arith.constant 64 : i32
      %mul3A_33 = arith.muli %scan3A_20, %mul3A_32 : i32
      %add3A_34 = arith.constant 16 : i32
      %add3A_35 = arith.addi %mul3A_33, %add3A_34 : i32
      %swap3A_36 = arith.index_cast %add3A_35 : i32 to index
      %swap3A_37 = tpu.vector_load %arg5[%swap3A_36] {strides = array<i32>} : memref<18432xf32, #tpu.memory_space<vmem>>, vector<16xf32>,
      tpu.vector_store %arg5[%swap3A_36], %broadcast_in_dim3A_3 {strides = array<i32>} : memref<18432xf32, #tpu.memory_space<vmem>>, vector<16xf32>,
      %mul3A_38 = arith.constant 64 : i32
      %mul3A_39 = arith.muli %scan3A_20, %mul3A_38 : i32
      %add3A_40 = arith.constant 16 : i32
      %add3A_41 = arith.addi %mul3A_39, %add3A_40 : i32
      %swap3A_42 = arith.index_cast %add3A_41 : i32 to index
      %swap3A_43 = tpu.vector_load %arg6[%swap3A_42] {strides = array<i32>} : memref<18432xf32, #tpu.memory_space<vmem>>, vector<16xf32>,
      tpu.vector_store %arg6[%swap3A_42], %broadcast_in_dim3A_3 {strides = array<i32>} : memref<18432xf32, #tpu.memory_space<vmem>>, vector<16xf32>,
      %mul3A_44 = arith.constant 64 : i32
      %mul3A_45 = arith.muli %scan3A_20, %mul3A_44 : i32
      %add3A_46 = arith.constant 32 : i32
      %add3A_47 = arith.addi %mul3A_45, %add3A_46 : i32
      %swap3A_48 = arith.index_cast %add3A_47 : i32 to index
      %swap3A_49 = tpu.vector_load %arg5[%swap3A_48] {strides = array<i32>} : memref<18432xf32, #tpu.memory_space<vmem>>, vector<16xf32>,
      tpu.vector_store %arg5[%swap3A_48], %broadcast_in_dim3A_3 {strides = array<i32>} : memref<18432xf32, #tpu.memory_space<vmem>>, vector<16xf32>,
      %mul3A_50 = arith.constant 64 : i32
      %mul3A_51 = arith.muli %scan3A_20, %mul3A_50 : i32
      %add3A_52 = arith.constant 32 : i32
      %add3A_53 = arith.addi %mul3A_51, %add3A_52 : i32
      %swap3A_54 = arith.index_cast %add3A_53 : i32 to index
      %swap3A_55 = tpu.vector_load %arg6[%swap3A_54] {strides = array<i32>} : memref<18432xf32, #tpu.memory_space<vmem>>, vector<16xf32>,
      tpu.vector_store %arg6[%swap3A_54], %broadcast_in_dim3A_3 {strides = array<i32>} : memref<18432xf32, #tpu.memory_space<vmem>>, vector<16xf32>,
      %mul3A_56 = arith.constant 64 : i32
      %mul3A_57 = arith.muli %scan3A_20, %mul3A_56 : i32
      %add3A_58 = arith.constant 48 : i32
      %add3A_59 = arith.addi %mul3A_57, %add3A_58 : i32
      %swap3A_60 = arith.index_cast %add3A_59 : i32 to index
      %swap3A_61 = tpu.vector_load %arg5[%swap3A_60] {strides = array<i32>} : memref<18432xf32, #tpu.memory_space<vmem>>, vector<16xf32>,
      tpu.vector_store %arg5[%swap3A_60], %broadcast_in_dim3A_3 {strides = array<i32>} : memref<18432xf32, #tpu.memory_space<vmem>>, vector<16xf32>,
      %mul3A_62 = arith.constant 64 : i32
      %mul3A_63 = arith.muli %scan3A_20, %mul3A_62 : i32
      %add3A_64 = arith.constant 48 : i32
      %add3A_65 = arith.addi %mul3A_63, %add3A_64 : i32
      %swap3A_66 = arith.index_cast %add3A_65 : i32 to index
      %swap3A_67 = tpu.vector_load %arg6[%swap3A_66] {strides = array<i32>} : memref<18432xf32, #tpu.memory_space<vmem>>, vector<16xf32>,
      tpu.vector_store %arg6[%swap3A_66], %broadcast_in_dim3A_3 {strides = array<i32>} : memref<18432xf32, #tpu.memory_space<vmem>>, vector<16xf32>,
    }
    %scan3A_11 = arith.constant 288 : i32
    %dma_wait3A = tpu.memref_slice %arg2[%mul3A_2] : memref<1048576xf32, #tpu.memory_space<hbm>> -> memref<32768xf32, #tpu.memory_space<hbm>>
    %dma_wait3A_12 = tpu.memref_slice %arg2[%mul3A_2] : memref<1048576xf32, #tpu.memory_space<hbm>> -> memref<32768xf32, #tpu.memory_space<hbm>>
    tpu.wait_dma2 semaphore(%arg7 : memref<!tpu.dma_semaphore, #tpu.memory_space<semaphore_mem>>) src(%dma_wait3A_12 : memref<32768xf32, #tpu.memory_space<hbm>>) dst(%arg4 : memref<32768xf32, #tpu.memory_space<vmem>>)
    %scan3A_13 = arith.constant 0 : i32
    %scan3A_14 = arith.constant 0 : i32
    %scan3A_15 = arith.constant 256 : i32
    %scan3A_16 = arith.addi %scan3A_14, %scan3A_15 : i32
    %scan3A_17 = arith.constant 1 : i32
    scf.for %scan3A_20 = %scan3A_14 to %scan3A_16 step %scan3A_17  : i32 {
      %mul3A_21 = arith.constant 128 : i32
      %mul3A_22 = arith.muli %scan3A_20, %mul3A_21 : i32
      %add3A_23 = arith.constant 0 : i32
      %add3A_24 = arith.addi %mul3A_22, %add3A_23 : i32
      %get3A = arith.index_cast %add3A_24 : i32 to index
      %get3A_25 = tpu.vector_load %arg4[%get3A] {strides = array<i32>} : memref<32768xf32, #tpu.memory_space<vmem>>, vector<16xf32>,
      %bitcast_convert_type3A = tpu.bitcast %get3A_25 : vector<16xf32> -> vector<16xi32>
      %shift_right_logical3A = arith.constant 17 : i32
      %shift_right_logical3A_26 = vector.broadcast %shift_right_logical3A : i32 to vector<16xi32>
      %shift_right_logical3A_27 = arith.shrui %bitcast_convert_type3A, %shift_right_logical3A_26 : vector<16xi32>
      %sub3A = arith.constant 7488 : i32
      %sub3A_28 = vector.broadcast %sub3A : i32 to vector<16xi32>
      %sub3A_29 = arith.subi %shift_right_logical3A_27, %sub3A_28 : vector<16xi32>
      %max3A = arith.constant 0 : i32
      %max3A_30 = vector.broadcast %max3A : i32 to vector<16xi32>
      %max3A_31 = arith.maxsi %sub3A_29, %max3A_30 : vector<16xi32>
      %min3A = arith.constant 1151 : i32
      %min3A_32 = vector.broadcast %min3A : i32 to vector<16xi32>
      %min3A_33 = arith.minsi %max3A_31, %min3A_32 : vector<16xi32>
      %mul3A_34 = arith.constant 16 : i32
      %mul3A_35 = vector.broadcast %mul3A_34 : i32 to vector<16xi32>
      %mul3A_36 = arith.muli %min3A_33, %mul3A_35 : vector<16xi32>
      %add3A_37 = arith.addi %mul3A_36, %iota3A : vector<16xi32>
      tpu.vector_store_idx %arg5[%add3A_37], %broadcast_in_dim3A_5 {add = true} : memref<18432xf32, #tpu.memory_space<vmem>>[vector<16xi32>], vector<16xf32>,
      tpu.vector_store_idx %arg6[%add3A_37], %get3A_25 {add = true} : memref<18432xf32, #tpu.memory_space<vmem>>[vector<16xi32>], vector<16xf32>,
      %mul3A_38 = arith.constant 128 : i32
      %mul3A_39 = arith.muli %scan3A_20, %mul3A_38 : i32
      %add3A_40 = arith.constant 16 : i32
      %add3A_41 = arith.addi %mul3A_39, %add3A_40 : i32
      %get3A_42 = arith.index_cast %add3A_41 : i32 to index
      %get3A_43 = tpu.vector_load %arg4[%get3A_42] {strides = array<i32>} : memref<32768xf32, #tpu.memory_space<vmem>>, vector<16xf32>,
      %bitcast_convert_type3A_44 = tpu.bitcast %get3A_43 : vector<16xf32> -> vector<16xi32>
      %shift_right_logical3A_45 = arith.constant 17 : i32
      %shift_right_logical3A_46 = vector.broadcast %shift_right_logical3A_45 : i32 to vector<16xi32>
      %shift_right_logical3A_47 = arith.shrui %bitcast_convert_type3A_44, %shift_right_logical3A_46 : vector<16xi32>
      %sub3A_48 = arith.constant 7488 : i32
      %sub3A_49 = vector.broadcast %sub3A_48 : i32 to vector<16xi32>
      %sub3A_50 = arith.subi %shift_right_logical3A_47, %sub3A_49 : vector<16xi32>
      %max3A_51 = arith.constant 0 : i32
      %max3A_52 = vector.broadcast %max3A_51 : i32 to vector<16xi32>
      %max3A_53 = arith.maxsi %sub3A_50, %max3A_52 : vector<16xi32>
      %min3A_54 = arith.constant 1151 : i32
      %min3A_55 = vector.broadcast %min3A_54 : i32 to vector<16xi32>
      %min3A_56 = arith.minsi %max3A_53, %min3A_55 : vector<16xi32>
      %mul3A_57 = arith.constant 16 : i32
      %mul3A_58 = vector.broadcast %mul3A_57 : i32 to vector<16xi32>
      %mul3A_59 = arith.muli %min3A_56, %mul3A_58 : vector<16xi32>
      %add3A_60 = arith.addi %mul3A_59, %iota3A : vector<16xi32>
      tpu.vector_store_idx %arg5[%add3A_60], %broadcast_in_dim3A_5 {add = true} : memref<18432xf32, #tpu.memory_space<vmem>>[vector<16xi32>], vector<16xf32>,
      tpu.vector_store_idx %arg6[%add3A_60], %get3A_43 {add = true} : memref<18432xf32, #tpu.memory_space<vmem>>[vector<16xi32>], vector<16xf32>,
      %mul3A_61 = arith.constant 128 : i32
      %mul3A_62 = arith.muli %scan3A_20, %mul3A_61 : i32
      %add3A_63 = arith.constant 32 : i32
      %add3A_64 = arith.addi %mul3A_62, %add3A_63 : i32
      %get3A_65 = arith.index_cast %add3A_64 : i32 to index
      %get3A_66 = tpu.vector_load %arg4[%get3A_65] {strides = array<i32>} : memref<32768xf32, #tpu.memory_space<vmem>>, vector<16xf32>,
      %bitcast_convert_type3A_67 = tpu.bitcast %get3A_66 : vector<16xf32> -> vector<16xi32>
      %shift_right_logical3A_68 = arith.constant 17 : i32
      %shift_right_logical3A_69 = vector.broadcast %shift_right_logical3A_68 : i32 to vector<16xi32>
      %shift_right_logical3A_70 = arith.shrui %bitcast_convert_type3A_67, %shift_right_logical3A_69 : vector<16xi32>
      %sub3A_71 = arith.constant 7488 : i32
      %sub3A_72 = vector.broadcast %sub3A_71 : i32 to vector<16xi32>
      %sub3A_73 = arith.subi %shift_right_logical3A_70, %sub3A_72 : vector<16xi32>
      %max3A_74 = arith.constant 0 : i32
      %max3A_75 = vector.broadcast %max3A_74 : i32 to vector<16xi32>
      %max3A_76 = arith.maxsi %sub3A_73, %max3A_75 : vector<16xi32>
      %min3A_77 = arith.constant 1151 : i32
      %min3A_78 = vector.broadcast %min3A_77 : i32 to vector<16xi32>
      %min3A_79 = arith.minsi %max3A_76, %min3A_78 : vector<16xi32>
      %mul3A_80 = arith.constant 16 : i32
      %mul3A_81 = vector.broadcast %mul3A_80 : i32 to vector<16xi32>
      %mul3A_82 = arith.muli %min3A_79, %mul3A_81 : vector<16xi32>
      %add3A_83 = arith.addi %mul3A_82, %iota3A : vector<16xi32>
      tpu.vector_store_idx %arg5[%add3A_83], %broadcast_in_dim3A_5 {add = true} : memref<18432xf32, #tpu.memory_space<vmem>>[vector<16xi32>], vector<16xf32>,
      tpu.vector_store_idx %arg6[%add3A_83], %get3A_66 {add = true} : memref<18432xf32, #tpu.memory_space<vmem>>[vector<16xi32>], vector<16xf32>,
      %mul3A_84 = arith.constant 128 : i32
      %mul3A_85 = arith.muli %scan3A_20, %mul3A_84 : i32
      %add3A_86 = arith.constant 48 : i32
      %add3A_87 = arith.addi %mul3A_85, %add3A_86 : i32
      %get3A_88 = arith.index_cast %add3A_87 : i32 to index
      %get3A_89 = tpu.vector_load %arg4[%get3A_88] {strides = array<i32>} : memref<32768xf32, #tpu.memory_space<vmem>>, vector<16xf32>,
      %bitcast_convert_type3A_90 = tpu.bitcast %get3A_89 : vector<16xf32> -> vector<16xi32>
      %shift_right_logical3A_91 = arith.constant 17 : i32
      %shift_right_logical3A_92 = vector.broadcast %shift_right_logical3A_91 : i32 to vector<16xi32>
      %shift_right_logical3A_93 = arith.shrui %bitcast_convert_type3A_90, %shift_right_logical3A_92 : vector<16xi32>
      %sub3A_94 = arith.constant 7488 : i32
      %sub3A_95 = vector.broadcast %sub3A_94 : i32 to vector<16xi32>
      %sub3A_96 = arith.subi %shift_right_logical3A_93, %sub3A_95 : vector<16xi32>
      %max3A_97 = arith.constant 0 : i32
      %max3A_98 = vector.broadcast %max3A_97 : i32 to vector<16xi32>
      %max3A_99 = arith.maxsi %sub3A_96, %max3A_98 : vector<16xi32>
      %min3A_100 = arith.constant 1151 : i32
      %min3A_101 = vector.broadcast %min3A_100 : i32 to vector<16xi32>
      %min3A_102 = arith.minsi %max3A_99, %min3A_101 : vector<16xi32>
      %mul3A_103 = arith.constant 16 : i32
      %mul3A_104 = vector.broadcast %mul3A_103 : i32 to vector<16xi32>
      %mul3A_105 = arith.muli %min3A_102, %mul3A_104 : vector<16xi32>
      %add3A_106 = arith.addi %mul3A_105, %iota3A : vector<16xi32>
      tpu.vector_store_idx %arg5[%add3A_106], %broadcast_in_dim3A_5 {add = true} : memref<18432xf32, #tpu.memory_space<vmem>>[vector<16xi32>], vector<16xf32>,
      tpu.vector_store_idx %arg6[%add3A_106], %get3A_89 {add = true} : memref<18432xf32, #tpu.memory_space<vmem>>[vector<16xi32>], vector<16xf32>,
      %mul3A_107 = arith.constant 128 : i32
      %mul3A_108 = arith.muli %scan3A_20, %mul3A_107 : i32
      %add3A_109 = arith.constant 64 : i32
      %add3A_110 = arith.addi %mul3A_108, %add3A_109 : i32
      %get3A_111 = arith.index_cast %add3A_110 : i32 to index
      %get3A_112 = tpu.vector_load %arg4[%get3A_111] {strides = array<i32>} : memref<32768xf32, #tpu.memory_space<vmem>>, vector<16xf32>,
      %bitcast_convert_type3A_113 = tpu.bitcast %get3A_112 : vector<16xf32> -> vector<16xi32>
      %shift_right_logical3A_114 = arith.constant 17 : i32
      %shift_right_logical3A_115 = vector.broadcast %shift_right_logical3A_114 : i32 to vector<16xi32>
      %shift_right_logical3A_116 = arith.shrui %bitcast_convert_type3A_113, %shift_right_logical3A_115 : vector<16xi32>
      %sub3A_117 = arith.constant 7488 : i32
      %sub3A_118 = vector.broadcast %sub3A_117 : i32 to vector<16xi32>
      %sub3A_119 = arith.subi %shift_right_logical3A_116, %sub3A_118 : vector<16xi32>
      %max3A_120 = arith.constant 0 : i32
      %max3A_121 = vector.broadcast %max3A_120 : i32 to vector<16xi32>
      %max3A_122 = arith.maxsi %sub3A_119, %max3A_121 : vector<16xi32>
      %min3A_123 = arith.constant 1151 : i32
      %min3A_124 = vector.broadcast %min3A_123 : i32 to vector<16xi32>
      %min3A_125 = arith.minsi %max3A_122, %min3A_124 : vector<16xi32>
      %mul3A_126 = arith.constant 16 : i32
      %mul3A_127 = vector.broadcast %mul3A_126 : i32 to vector<16xi32>
      %mul3A_128 = arith.muli %min3A_125, %mul3A_127 : vector<16xi32>
      %add3A_129 = arith.addi %mul3A_128, %iota3A : vector<16xi32>
      tpu.vector_store_idx %arg5[%add3A_129], %broadcast_in_dim3A_5 {add = true} : memref<18432xf32, #tpu.memory_space<vmem>>[vector<16xi32>], vector<16xf32>,
      tpu.vector_store_idx %arg6[%add3A_129], %get3A_112 {add = true} : memref<18432xf32, #tpu.memory_space<vmem>>[vector<16xi32>], vector<16xf32>,
      %mul3A_130 = arith.constant 128 : i32
      %mul3A_131 = arith.muli %scan3A_20, %mul3A_130 : i32
      %add3A_132 = arith.constant 80 : i32
      %add3A_133 = arith.addi %mul3A_131, %add3A_132 : i32
      %get3A_134 = arith.index_cast %add3A_133 : i32 to index
      %get3A_135 = tpu.vector_load %arg4[%get3A_134] {strides = array<i32>} : memref<32768xf32, #tpu.memory_space<vmem>>, vector<16xf32>,
      %bitcast_convert_type3A_136 = tpu.bitcast %get3A_135 : vector<16xf32> -> vector<16xi32>
      %shift_right_logical3A_137 = arith.constant 17 : i32
      %shift_right_logical3A_138 = vector.broadcast %shift_right_logical3A_137 : i32 to vector<16xi32>
      %shift_right_logical3A_139 = arith.shrui %bitcast_convert_type3A_136, %shift_right_logical3A_138 : vector<16xi32>
      %sub3A_140 = arith.constant 7488 : i32
      %sub3A_141 = vector.broadcast %sub3A_140 : i32 to vector<16xi32>
      %sub3A_142 = arith.subi %shift_right_logical3A_139, %sub3A_141 : vector<16xi32>
      %max3A_143 = arith.constant 0 : i32
      %max3A_144 = vector.broadcast %max3A_143 : i32 to vector<16xi32>
      %max3A_145 = arith.maxsi %sub3A_142, %max3A_144 : vector<16xi32>
      %min3A_146 = arith.constant 1151 : i32
      %min3A_147 = vector.broadcast %min3A_146 : i32 to vector<16xi32>
      %min3A_148 = arith.minsi %max3A_145, %min3A_147 : vector<16xi32>
      %mul3A_149 = arith.constant 16 : i32
      %mul3A_150 = vector.broadcast %mul3A_149 : i32 to vector<16xi32>
      %mul3A_151 = arith.muli %min3A_148, %mul3A_150 : vector<16xi32>
      %add3A_152 = arith.addi %mul3A_151, %iota3A : vector<16xi32>
      tpu.vector_store_idx %arg5[%add3A_152], %broadcast_in_dim3A_5 {add = true} : memref<18432xf32, #tpu.memory_space<vmem>>[vector<16xi32>], vector<16xf32>,
      tpu.vector_store_idx %arg6[%add3A_152], %get3A_135 {add = true} : memref<18432xf32, #tpu.memory_space<vmem>>[vector<16xi32>], vector<16xf32>,
      %mul3A_153 = arith.constant 128 : i32
      %mul3A_154 = arith.muli %scan3A_20, %mul3A_153 : i32
      %add3A_155 = arith.constant 96 : i32
      %add3A_156 = arith.addi %mul3A_154, %add3A_155 : i32
      %get3A_157 = arith.index_cast %add3A_156 : i32 to index
      %get3A_158 = tpu.vector_load %arg4[%get3A_157] {strides = array<i32>} : memref<32768xf32, #tpu.memory_space<vmem>>, vector<16xf32>,
      %bitcast_convert_type3A_159 = tpu.bitcast %get3A_158 : vector<16xf32> -> vector<16xi32>
      %shift_right_logical3A_160 = arith.constant 17 : i32
      %shift_right_logical3A_161 = vector.broadcast %shift_right_logical3A_160 : i32 to vector<16xi32>
      %shift_right_logical3A_162 = arith.shrui %bitcast_convert_type3A_159, %shift_right_logical3A_161 : vector<16xi32>
      %sub3A_163 = arith.constant 7488 : i32
      %sub3A_164 = vector.broadcast %sub3A_163 : i32 to vector<16xi32>
      %sub3A_165 = arith.subi %shift_right_logical3A_162, %sub3A_164 : vector<16xi32>
      %max3A_166 = arith.constant 0 : i32
      %max3A_167 = vector.broadcast %max3A_166 : i32 to vector<16xi32>
      %max3A_168 = arith.maxsi %sub3A_165, %max3A_167 : vector<16xi32>
      %min3A_169 = arith.constant 1151 : i32
      %min3A_170 = vector.broadcast %min3A_169 : i32 to vector<16xi32>
      %min3A_171 = arith.minsi %max3A_168, %min3A_170 : vector<16xi32>
      %mul3A_172 = arith.constant 16 : i32
      %mul3A_173 = vector.broadcast %mul3A_172 : i32 to vector<16xi32>
      %mul3A_174 = arith.muli %min3A_171, %mul3A_173 : vector<16xi32>
      %add3A_175 = arith.addi %mul3A_174, %iota3A : vector<16xi32>
      tpu.vector_store_idx %arg5[%add3A_175], %broadcast_in_dim3A_5 {add = true} : memref<18432xf32, #tpu.memory_space<vmem>>[vector<16xi32>], vector<16xf32>,
      tpu.vector_store_idx %arg6[%add3A_175], %get3A_158 {add = true} : memref<18432xf32, #tpu.memory_space<vmem>>[vector<16xi32>], vector<16xf32>,
      %mul3A_176 = arith.constant 128 : i32
      %mul3A_177 = arith.muli %scan3A_20, %mul3A_176 : i32
      %add3A_178 = arith.constant 112 : i32
      %add3A_179 = arith.addi %mul3A_177, %add3A_178 : i32
      %get3A_180 = arith.index_cast %add3A_179 : i32 to index
      %get3A_181 = tpu.vector_load %arg4[%get3A_180] {strides = array<i32>} : memref<32768xf32, #tpu.memory_space<vmem>>, vector<16xf32>,
      %bitcast_convert_type3A_182 = tpu.bitcast %get3A_181 : vector<16xf32> -> vector<16xi32>
      %shift_right_logical3A_183 = arith.constant 17 : i32
      %shift_right_logical3A_184 = vector.broadcast %shift_right_logical3A_183 : i32 to vector<16xi32>
      %shift_right_logical3A_185 = arith.shrui %bitcast_convert_type3A_182, %shift_right_logical3A_184 : vector<16xi32>
      %sub3A_186 = arith.constant 7488 : i32
      %sub3A_187 = vector.broadcast %sub3A_186 : i32 to vector<16xi32>
      %sub3A_188 = arith.subi %shift_right_logical3A_185, %sub3A_187 : vector<16xi32>
      %max3A_189 = arith.constant 0 : i32
      %max3A_190 = vector.broadcast %max3A_189 : i32 to vector<16xi32>
      %max3A_191 = arith.maxsi %sub3A_188, %max3A_190 : vector<16xi32>
      %min3A_192 = arith.constant 1151 : i32
      %min3A_193 = vector.broadcast %min3A_192 : i32 to vector<16xi32>
      %min3A_194 = arith.minsi %max3A_191, %min3A_193 : vector<16xi32>
      %mul3A_195 = arith.constant 16 : i32
      %mul3A_196 = vector.broadcast %mul3A_195 : i32 to vector<16xi32>
      %mul3A_197 = arith.muli %min3A_194, %mul3A_196 : vector<16xi32>
      %add3A_198 = arith.addi %mul3A_197, %iota3A : vector<16xi32>
      tpu.vector_store_idx %arg5[%add3A_198], %broadcast_in_dim3A_5 {add = true} : memref<18432xf32, #tpu.memory_space<vmem>>[vector<16xi32>], vector<16xf32>,
      tpu.vector_store_idx %arg6[%add3A_198], %get3A_181 {add = true} : memref<18432xf32, #tpu.memory_space<vmem>>[vector<16xi32>], vector<16xf32>,
    }
    %scan3A_18 = arith.constant 256 : i32
    %run_scoped3A = arith.constant 0 : i32
    "tpu.region"() ({
      %run_scoped3A_20 = tpu.sem_alloc : memref<!tpu.dma_semaphore, #tpu.memory_space<semaphore_mem>>
      %dma_start3A_21 = arith.constant 0 : i32
      %dma_start3A_22 = tpu.memref_slice %arg3[%add3A, %run_scoped3A, %dma_start3A_21] : memref<32x2x18432xf32, #tpu.memory_space<hbm>> -> memref<1x1x18432xf32, #tpu.memory_space<hbm>>
      %dma_start3A_23 = tpu.memref_squeeze %dma_start3A_22 : memref<1x1x18432xf32, #tpu.memory_space<hbm>> -> memref<18432xf32, #tpu.memory_space<hbm>>
      %dma_start3A_24 = arith.constant 0 : i32
      %dma_start3A_25 = tpu.memref_slice %arg3[%add3A, %run_scoped3A, %dma_start3A_24] : memref<32x2x18432xf32, #tpu.memory_space<hbm>> -> memref<1x1x18432xf32, #tpu.memory_space<hbm>>
      %dma_start3A_26 = tpu.memref_squeeze %dma_start3A_25 : memref<1x1x18432xf32, #tpu.memory_space<hbm>> -> memref<18432xf32, #tpu.memory_space<hbm>>
      tpu.enqueue_dma source(%arg5 : memref<18432xf32, #tpu.memory_space<vmem>>) target(%dma_start3A_26 : memref<18432xf32, #tpu.memory_space<hbm>>) target_semaphore(%run_scoped3A_20 : memref<!tpu.dma_semaphore, #tpu.memory_space<semaphore_mem>>)
      %dma_wait3A_27 = arith.constant 0 : i32
      %dma_wait3A_28 = tpu.memref_slice %arg3[%add3A, %run_scoped3A, %dma_wait3A_27] : memref<32x2x18432xf32, #tpu.memory_space<hbm>> -> memref<1x1x18432xf32, #tpu.memory_space<hbm>>
      %dma_wait3A_29 = tpu.memref_squeeze %dma_wait3A_28 : memref<1x1x18432xf32, #tpu.memory_space<hbm>> -> memref<18432xf32, #tpu.memory_space<hbm>>
      %dma_wait3A_30 = arith.constant 0 : i32
      %dma_wait3A_31 = tpu.memref_slice %arg3[%add3A, %run_scoped3A, %dma_wait3A_30] : memref<32x2x18432xf32, #tpu.memory_space<hbm>> -> memref<1x1x18432xf32, #tpu.memory_space<hbm>>
      %dma_wait3A_32 = tpu.memref_squeeze %dma_wait3A_31 : memref<1x1x18432xf32, #tpu.memory_space<hbm>> -> memref<18432xf32, #tpu.memory_space<hbm>>
      tpu.wait_dma2 semaphore(%run_scoped3A_20 : memref<!tpu.dma_semaphore, #tpu.memory_space<semaphore_mem>>) src(%arg5 : memref<18432xf32, #tpu.memory_space<vmem>>) dst(%dma_wait3A_32 : memref<18432xf32, #tpu.memory_space<hbm>>)
      tpu.yield
    }) : () -> ()
    %run_scoped3A_19 = arith.constant 1 : i32
    "tpu.region"() ({
      %run_scoped3A_20 = tpu.sem_alloc : memref<!tpu.dma_semaphore, #tpu.memory_space<semaphore_mem>>
      %dma_start3A_21 = arith.constant 0 : i32
      %dma_start3A_22 = tpu.memref_slice %arg3[%add3A, %run_scoped3A_19, %dma_start3A_21] : memref<32x2x18432xf32, #tpu.memory_space<hbm>> -> memref<1x1x18432xf32, #tpu.memory_space<hbm>>
      %dma_start3A_23 = tpu.memref_squeeze %dma_start3A_22 : memref<1x1x18432xf32, #tpu.memory_space<hbm>> -> memref<18432xf32, #tpu.memory_space<hbm>>
      %dma_start3A_24 = arith.constant 0 : i32
      %dma_start3A_25 = tpu.memref_slice %arg3[%add3A, %run_scoped3A_19, %dma_start3A_24] : memref<32x2x18432xf32, #tpu.memory_space<hbm>> -> memref<1x1x18432xf32, #tpu.memory_space<hbm>>
      %dma_start3A_26 = tpu.memref_squeeze %dma_start3A_25 : memref<1x1x18432xf32, #tpu.memory_space<hbm>> -> memref<18432xf32, #tpu.memory_space<hbm>>
      tpu.enqueue_dma source(%arg6 : memref<18432xf32, #tpu.memory_space<vmem>>) target(%dma_start3A_26 : memref<18432xf32, #tpu.memory_space<hbm>>) target_semaphore(%run_scoped3A_20 : memref<!tpu.dma_semaphore, #tpu.memory_space<semaphore_mem>>)
      %dma_wait3A_27 = arith.constant 0 : i32
      %dma_wait3A_28 = tpu.memref_slice %arg3[%add3A, %run_scoped3A_19, %dma_wait3A_27] : memref<32x2x18432xf32, #tpu.memory_space<hbm>> -> memref<1x1x18432xf32, #tpu.memory_space<hbm>>
      %dma_wait3A_29 = tpu.memref_squeeze %dma_wait3A_28 : memref<1x1x18432xf32, #tpu.memory_space<hbm>> -> memref<18432xf32, #tpu.memory_space<hbm>>
      %dma_wait3A_30 = arith.constant 0 : i32
      %dma_wait3A_31 = tpu.memref_slice %arg3[%add3A, %run_scoped3A_19, %dma_wait3A_30] : memref<32x2x18432xf32, #tpu.memory_space<hbm>> -> memref<1x1x18432xf32, #tpu.memory_space<hbm>>
      %dma_wait3A_32 = tpu.memref_squeeze %dma_wait3A_31 : memref<1x1x18432xf32, #tpu.memory_space<hbm>> -> memref<18432xf32, #tpu.memory_space<hbm>>
      tpu.wait_dma2 semaphore(%run_scoped3A_20 : memref<!tpu.dma_semaphore, #tpu.memory_space<semaphore_mem>>) src(%arg6 : memref<18432xf32, #tpu.memory_space<vmem>>) dst(%dma_wait3A_32 : memref<18432xf32, #tpu.memory_space<hbm>>)
      tpu.yield
    }) : () -> ()
    return
  }
}

module attributes {stable_mosaic.version = 14 : i64} {
  func.func @_sem_body(%arg0: i32, %arg1: memref<1x19x1x1024x128xf32, #tpu.memory_space<vmem>>, %arg2: memref<1x1x1024x128xi32, #tpu.memory_space<vmem>>, %arg3: memref<1024x128xf32, #tpu.memory_space<vmem>>) attributes {dimension_semantics = [#tpu.dimension_semantics<arbitrary>], iteration_bounds = array<i64: 8>, scalar_prefetch = 0 : i64, scratch_operands = 0 : i64, tpu.core_type = #tpu.core_type<tc>, window_params = [{transform_indices = @transform_0, window_bounds = array<i64: 1, 19, 1, 1024, 128>}, {transform_indices = @transform_1, window_bounds = array<i64: 1, 1, 1024, 128>}, {transform_indices = @transform_2, window_bounds = array<i64: 1024, 128>}]} {
    %get3A = arith.constant 0 : index
    %get3A_0 = arith.constant 0 : index
    %get3A_1 = arith.constant 0 : index
    %get3A_2 = arith.constant 0 : index
    %get3A_3 = arith.constant 0 : index
    %get3A_4 = vector.load %arg1[%get3A, %get3A_0, %get3A_1, %get3A_2, %get3A_3] : memref<1x19x1x1024x128xf32, #tpu.memory_space<vmem>>, vector<1x19x1x1024x128xf32>
    %get3A_5 = vector.shape_cast %get3A_4 : vector<1x19x1x1024x128xf32> to vector<19x1024x128xf32>
    %get3A_6 = arith.constant 0 : index
    %get3A_7 = arith.constant 0 : index
    %get3A_8 = arith.constant 0 : index
    %get3A_9 = arith.constant 0 : index
    %get3A_10 = vector.load %arg2[%get3A_6, %get3A_7, %get3A_8, %get3A_9] : memref<1x1x1024x128xi32, #tpu.memory_space<vmem>>, vector<1x1x1024x128xi32>
    %get3A_11 = vector.shape_cast %get3A_10 : vector<1x1x1024x128xi32> to vector<1024x128xi32>
    %reduce_max3A = arith.constant dense<0xFF800000> : vector<1024x128xf32>
    %reduce_max3A_12 = vector.multi_reduction <maximumf>, %get3A_5, %reduce_max3A [0] : vector<19x1024x128xf32> to vector<1024x128xf32>
    %broadcast_in_dim3A = vector.shape_cast %reduce_max3A_12 : vector<1024x128xf32> to vector<1x1024x128xf32>
    %sub3A = vector.broadcast %broadcast_in_dim3A : vector<1x1024x128xf32> to vector<19x1024x128xf32>
    %sub3A_13 = arith.subf %get3A_5, %sub3A : vector<19x1024x128xf32>
    %exp3A = math.exp %sub3A_13 : vector<19x1024x128xf32>
    %reduce_sum3A = arith.constant dense<0.000000e+00> : vector<1024x128xf32>
    %reduce_sum3A_14 = vector.multi_reduction <add>, %exp3A, %reduce_sum3A [0] : vector<19x1024x128xf32> to vector<1024x128xf32>
    %log3A = math.log %reduce_sum3A_14 : vector<1024x128xf32>
    %add3A = arith.addf %reduce_max3A_12, %log3A : vector<1024x128xf32>
    %iota3A = tpu.iota {dimensions = array<i32: 0>} : vector<19x1024x128xi32>
    %broadcast_in_dim3A_15 = vector.shape_cast %get3A_11 : vector<1024x128xi32> to vector<1x1024x128xi32>
    %eq3A = vector.broadcast %broadcast_in_dim3A_15 : vector<1x1024x128xi32> to vector<19x1024x128xi32>
    %eq3A_16 = arith.cmpi eq, %iota3A, %eq3A : vector<19x1024x128xi32>
    %jit3A = arith.constant 0.000000e+00 : f32
    %broadcast_in_dim3A_17 = vector.broadcast %jit3A : f32 to vector<19x1024x128xf32>
    %select_n3A = arith.select %eq3A_16, %get3A_5, %broadcast_in_dim3A_17 : vector<19x1024x128xi1>, vector<19x1024x128xf32>
    %reduce_sum3A_18 = arith.constant dense<0.000000e+00> : vector<1024x128xf32>
    %reduce_sum3A_19 = vector.multi_reduction <add>, %select_n3A, %reduce_sum3A_18 [0] : vector<19x1024x128xf32> to vector<1024x128xf32>
    %sub3A_20 = arith.subf %add3A, %reduce_sum3A_19 : vector<1024x128xf32>
    %swap3A = arith.constant 0 : index
    %swap3A_21 = arith.constant 0 : index
    %swap3A_22 = vector.load %arg3[%swap3A, %swap3A_21] : memref<1024x128xf32, #tpu.memory_space<vmem>>, vector<1024x128xf32>
    tpu.vector_store %arg3[%swap3A, %swap3A_21], %sub3A_20 {strides = array<i32>} : memref<1024x128xf32, #tpu.memory_space<vmem>>, vector<1024x128xf32>,
    return
  }
  func.func @transform_0(%arg0: i32) -> (i32, i32, i32, i32, i32) {
    %jit3A = arith.constant 2 : i32
    %div3A = arith.divsi %arg0, %jit3A : i32
    %sign3A = arith.constant 0 : i32
    %sign3A_0 = arith.cmpi sgt, %arg0, %sign3A : i32
    %sign3A_1 = arith.extui %sign3A_0 : i1 to i32
    %sign3A_2 = arith.constant 0 : i32
    %sign3A_3 = arith.cmpi slt, %arg0, %sign3A_2 : i32
    %sign3A_4 = arith.extui %sign3A_3 : i1 to i32
    %sign3A_5 = arith.subi %sign3A_1, %sign3A_4 : i32
    %sign3A_6 = arith.constant 0 : i32
    %sign3A_7 = arith.cmpi sgt, %jit3A, %sign3A_6 : i32
    %sign3A_8 = arith.extui %sign3A_7 : i1 to i32
    %sign3A_9 = arith.constant 0 : i32
    %sign3A_10 = arith.cmpi slt, %jit3A, %sign3A_9 : i32
    %sign3A_11 = arith.extui %sign3A_10 : i1 to i32
    %sign3A_12 = arith.subi %sign3A_8, %sign3A_11 : i32
    %ne3A = arith.cmpi ne, %sign3A_5, %sign3A_12 : i32
    %rem3A = arith.remsi %arg0, %jit3A : i32
    %ne3A_13 = arith.constant 0 : i32
    %ne3A_14 = arith.cmpi ne, %rem3A, %ne3A_13 : i32
    %and3A = arith.andi %ne3A, %ne3A_14 : i1
    %sub3A = arith.constant 1 : i32
    %sub3A_15 = arith.subi %div3A, %sub3A : i32
    %select_n3A = arith.select %and3A, %sub3A_15, %div3A : i32
    %jit3A_16 = arith.constant 2 : i32
    %eq3A = arith.constant 0 : i32
    %eq3A_17 = arith.cmpi eq, %jit3A_16, %eq3A : i32
    %jit3A_18 = arith.constant 1 : i32
    %select_n3A_19 = arith.select %eq3A_17, %jit3A_18, %jit3A_16 : i32
    %rem3A_20 = arith.remsi %arg0, %select_n3A_19 : i32
    %ne3A_21 = arith.constant 0 : i32
    %ne3A_22 = arith.cmpi ne, %rem3A_20, %ne3A_21 : i32
    %lt3A = arith.constant 0 : i32
    %lt3A_23 = arith.cmpi slt, %rem3A_20, %lt3A : i32
    %lt3A_24 = arith.constant 0 : i32
    %lt3A_25 = arith.cmpi slt, %select_n3A_19, %lt3A_24 : i32
    %ne3A_26 = arith.xori %lt3A_23, %lt3A_25 : i1
    %and3A_27 = arith.andi %ne3A_26, %ne3A_22 : i1
    %add3A = arith.addi %rem3A_20, %select_n3A_19 : i32
    %select_n3A_28 = arith.select %and3A_27, %add3A, %rem3A_20 : i32
    %c0_i32 = arith.constant 0 : i32
    %c0_i32_29 = arith.constant 0 : i32
    %c0_i32_30 = arith.constant 0 : i32
    %c0_i32_31 = arith.constant 0 : i32
    return %select_n3A, %c0_i32, %select_n3A_28, %c0_i32_29, %c0_i32_30 : i32, i32, i32, i32, i32
  }
  func.func @transform_1(%arg0: i32) -> (i32, i32, i32, i32) {
    %jit3A = arith.constant 2 : i32
    %div3A = arith.divsi %arg0, %jit3A : i32
    %sign3A = arith.constant 0 : i32
    %sign3A_0 = arith.cmpi sgt, %arg0, %sign3A : i32
    %sign3A_1 = arith.extui %sign3A_0 : i1 to i32
    %sign3A_2 = arith.constant 0 : i32
    %sign3A_3 = arith.cmpi slt, %arg0, %sign3A_2 : i32
    %sign3A_4 = arith.extui %sign3A_3 : i1 to i32
    %sign3A_5 = arith.subi %sign3A_1, %sign3A_4 : i32
    %sign3A_6 = arith.constant 0 : i32
    %sign3A_7 = arith.cmpi sgt, %jit3A, %sign3A_6 : i32
    %sign3A_8 = arith.extui %sign3A_7 : i1 to i32
    %sign3A_9 = arith.constant 0 : i32
    %sign3A_10 = arith.cmpi slt, %jit3A, %sign3A_9 : i32
    %sign3A_11 = arith.extui %sign3A_10 : i1 to i32
    %sign3A_12 = arith.subi %sign3A_8, %sign3A_11 : i32
    %ne3A = arith.cmpi ne, %sign3A_5, %sign3A_12 : i32
    %rem3A = arith.remsi %arg0, %jit3A : i32
    %ne3A_13 = arith.constant 0 : i32
    %ne3A_14 = arith.cmpi ne, %rem3A, %ne3A_13 : i32
    %and3A = arith.andi %ne3A, %ne3A_14 : i1
    %sub3A = arith.constant 1 : i32
    %sub3A_15 = arith.subi %div3A, %sub3A : i32
    %select_n3A = arith.select %and3A, %sub3A_15, %div3A : i32
    %jit3A_16 = arith.constant 2 : i32
    %eq3A = arith.constant 0 : i32
    %eq3A_17 = arith.cmpi eq, %jit3A_16, %eq3A : i32
    %jit3A_18 = arith.constant 1 : i32
    %select_n3A_19 = arith.select %eq3A_17, %jit3A_18, %jit3A_16 : i32
    %rem3A_20 = arith.remsi %arg0, %select_n3A_19 : i32
    %ne3A_21 = arith.constant 0 : i32
    %ne3A_22 = arith.cmpi ne, %rem3A_20, %ne3A_21 : i32
    %lt3A = arith.constant 0 : i32
    %lt3A_23 = arith.cmpi slt, %rem3A_20, %lt3A : i32
    %lt3A_24 = arith.constant 0 : i32
    %lt3A_25 = arith.cmpi slt, %select_n3A_19, %lt3A_24 : i32
    %ne3A_26 = arith.xori %lt3A_23, %lt3A_25 : i1
    %and3A_27 = arith.andi %ne3A_26, %ne3A_22 : i1
    %add3A = arith.addi %rem3A_20, %select_n3A_19 : i32
    %select_n3A_28 = arith.select %and3A_27, %add3A, %rem3A_20 : i32
    %c0_i32 = arith.constant 0 : i32
    %c0_i32_29 = arith.constant 0 : i32
    %c0_i32_30 = arith.constant 0 : i32
    return %select_n3A, %select_n3A_28, %c0_i32, %c0_i32_29 : i32, i32, i32, i32
  }
  func.func @transform_2(%arg0: i32) -> (i32, i32) {
    %c0_i32 = arith.constant 0 : i32
    %c0_i32_0 = arith.constant 0 : i32
    return %arg0, %c0_i32 : i32, i32
  }
}

module attributes {stable_mosaic.version = 14 : i64} {
  func.func @_cnt_body(%arg0: i32, %arg1: memref<8192x128xf32, #tpu.memory_space<vmem>>, %arg2: memref<8192x128xf32, #tpu.memory_space<vmem>>, %arg3: memref<8192x128xf32, #tpu.memory_space<vmem>>) attributes {dimension_semantics = [#tpu.dimension_semantics<arbitrary>], iteration_bounds = array<i64: 1>, scalar_prefetch = 0 : i64, scratch_operands = 0 : i64, tpu.core_type = #tpu.core_type<tc>, window_params = [{pipeline_mode = #tpu.pipeline_mode<synchronous>, transform_indices = @transform_0, window_bounds = array<i64: 8192, 128>}, {pipeline_mode = #tpu.pipeline_mode<synchronous>, transform_indices = @transform_1, window_bounds = array<i64: 8192, 128>}, {pipeline_mode = #tpu.pipeline_mode<synchronous>, transform_indices = @transform_2, window_bounds = array<i64: 8192, 128>}]} {
    %get3A = arith.constant 0 : index
    %get3A_0 = arith.constant 0 : index
    %get3A_1 = vector.load %arg1[%get3A, %get3A_0] : memref<8192x128xf32, #tpu.memory_space<vmem>>, vector<8192x128xf32>
    %get3A_2 = arith.constant 0 : index
    %get3A_3 = arith.constant 0 : index
    %get3A_4 = vector.load %arg2[%get3A_2, %get3A_3] : memref<8192x128xf32, #tpu.memory_space<vmem>>, vector<8192x128xf32>
    %max3A = arith.constant 0.000000e+00 : f32
    %max3A_5 = vector.broadcast %max3A : f32 to vector<8192x128xf32>
    %max3A_6 = arith.maximumf %get3A_1, %max3A_5 : vector<8192x128xf32>
    %mul3A = arith.mulf %get3A_1, %get3A_4 : vector<8192x128xf32>
    %sub3A = arith.subf %max3A_6, %mul3A : vector<8192x128xf32>
    %abs3A = math.absf %get3A_1 : vector<8192x128xf32>
    %neg3A = arith.constant 0.000000e+00 : f32
    %neg3A_7 = vector.broadcast %neg3A : f32 to vector<8192x128xf32>
    %neg3A_8 = arith.subf %neg3A_7, %abs3A : vector<8192x128xf32>
    %exp3A = math.exp %neg3A_8 : vector<8192x128xf32>
    %log1p3A = math.log1p %exp3A : vector<8192x128xf32>
    %add3A = arith.addf %sub3A, %log1p3A : vector<8192x128xf32>
    %swap3A = arith.constant 0 : index
    %swap3A_9 = arith.constant 0 : index
    %swap3A_10 = vector.load %arg3[%swap3A, %swap3A_9] : memref<8192x128xf32, #tpu.memory_space<vmem>>, vector<8192x128xf32>
    tpu.vector_store %arg3[%swap3A, %swap3A_9], %add3A {strides = array<i32>} : memref<8192x128xf32, #tpu.memory_space<vmem>>, vector<8192x128xf32>,
    return
  }
  func.func @transform_0(%arg0: i32) -> (i32, i32) {
    %c0_i32 = arith.constant 0 : i32
    %c0_i32_0 = arith.constant 0 : i32
    %c0_i32_1 = arith.constant 0 : i32
    return %c0_i32, %c0_i32_0 : i32, i32
  }
  func.func @transform_1(%arg0: i32) -> (i32, i32) {
    %c0_i32 = arith.constant 0 : i32
    %c0_i32_0 = arith.constant 0 : i32
    %c0_i32_1 = arith.constant 0 : i32
    return %c0_i32, %c0_i32_0 : i32, i32
  }
  func.func @transform_2(%arg0: i32) -> (i32, i32) {
    %c0_i32 = arith.constant 0 : i32
    %c0_i32_0 = arith.constant 0 : i32
    %c0_i32_1 = arith.constant 0 : i32
    return %c0_i32, %c0_i32_0 : i32, i32
  }
}

module attributes {stable_mosaic.version = 14 : i64} {
  func.func @_merge_body(%arg0: i32, %arg1: memref<32x2x144x128xf32, #tpu.memory_space<vmem>>, %arg2: memref<32x2x144x128xf32, #tpu.memory_space<vmem>>, %arg3: memref<1x1xf32, #tpu.memory_space<smem>>) attributes {dimension_semantics = [#tpu.dimension_semantics<arbitrary>], iteration_bounds = array<i64: 1>, scalar_prefetch = 0 : i64, scratch_operands = 0 : i64, tpu.core_type = #tpu.core_type<tc>, window_params = [{pipeline_mode = #tpu.pipeline_mode<synchronous>, transform_indices = @transform_0, window_bounds = array<i64: 32, 2, 144, 128>}, {pipeline_mode = #tpu.pipeline_mode<synchronous>, transform_indices = @transform_1, window_bounds = array<i64: 32, 2, 144, 128>}, {transform_indices = @transform_2, window_bounds = array<i64: 1, 1>}]} {
    %iota3A = tpu.iota {dimensions = array<i32: 0>} : vector<144x128xi32>
    %mul3A = arith.constant 128 : i32
    %mul3A_0 = vector.broadcast %mul3A : i32 to vector<144x128xi32>
    %mul3A_1 = arith.muli %iota3A, %mul3A_0 : vector<144x128xi32>
    %iota3A_2 = tpu.iota {dimensions = array<i32: 1>} : vector<144x128xi32>
    %add3A = arith.addi %mul3A_1, %iota3A_2 : vector<144x128xi32>
    %shift_right_logical3A = arith.constant 4 : i32
    %shift_right_logical3A_3 = vector.broadcast %shift_right_logical3A : i32 to vector<144x128xi32>
    %shift_right_logical3A_4 = arith.shrui %add3A, %shift_right_logical3A_3 : vector<144x128xi32>
    %get3A = arith.constant 0 : index
    %get3A_5 = arith.constant 0 : index
    %get3A_6 = arith.constant 0 : index
    %get3A_7 = arith.constant 0 : index
    %get3A_8 = vector.load %arg1[%get3A, %get3A_5, %get3A_6, %get3A_7] : memref<32x2x144x128xf32, #tpu.memory_space<vmem>>, vector<32x1x144x128xf32>
    %get3A_9 = vector.shape_cast %get3A_8 : vector<32x1x144x128xf32> to vector<32x144x128xf32>
    %reduce_sum3A = arith.constant dense<0.000000e+00> : vector<144x128xf32>
    %reduce_sum3A_10 = vector.multi_reduction <add>, %get3A_9, %reduce_sum3A [0] : vector<32x144x128xf32> to vector<144x128xf32>
    %get3A_11 = arith.constant 0 : index
    %get3A_12 = arith.constant 1 : index
    %get3A_13 = arith.constant 0 : index
    %get3A_14 = arith.constant 0 : index
    %get3A_15 = vector.load %arg1[%get3A_11, %get3A_12, %get3A_13, %get3A_14] : memref<32x2x144x128xf32, #tpu.memory_space<vmem>>, vector<32x1x144x128xf32>
    %get3A_16 = vector.shape_cast %get3A_15 : vector<32x1x144x128xf32> to vector<32x144x128xf32>
    %reduce_sum3A_17 = arith.constant dense<0.000000e+00> : vector<144x128xf32>
    %reduce_sum3A_18 = vector.multi_reduction <add>, %get3A_16, %reduce_sum3A_17 [0] : vector<32x144x128xf32> to vector<144x128xf32>
    %add3A_19 = arith.constant 0 : i32
    %add3A_20 = arith.constant 1152 : i32
    %add3A_21 = arith.addi %add3A_19, %add3A_20 : i32
    %div3A = arith.constant 2 : i32
    %div3A_22 = arith.divsi %add3A_21, %div3A : i32
    %ge3A = vector.broadcast %div3A_22 : i32 to vector<144x128xi32>
    %ge3A_23 = arith.cmpi sge, %shift_right_logical3A_4, %ge3A : vector<144x128xi32>
    %jit3A = arith.constant 0.000000e+00 : f32
    %broadcast_in_dim3A = vector.broadcast %jit3A : f32 to vector<144x128xf32>
    %select_n3A = arith.select %ge3A_23, %reduce_sum3A_10, %broadcast_in_dim3A : vector<144x128xi1>, vector<144x128xf32>
    %reduce_sum3A_24 = vector.shape_cast %select_n3A : vector<144x128xf32> to vector<1x144x128xf32>
    %reduce_sum3A_25 = arith.constant dense<0.000000e+00> : vector<1xf32>
    %reduce_sum3A_26 = vector.multi_reduction <add>, %reduce_sum3A_24, %reduce_sum3A_25 [1, 2] : vector<1x144x128xf32> to vector<1xf32>
    %reduce_sum3A_27 = vector.shape_cast %reduce_sum3A_26 : vector<1xf32> to vector<1x1x1xf32>
    %reduce_sum3A_28 = vector.extract %reduce_sum3A_27[0, 0, 0] : f32 from vector<1x1x1xf32>
    %ge3A_29 = arith.constant 1.572860e+05 : f32
    %ge3A_30 = arith.cmpf oge, %reduce_sum3A_28, %ge3A_29 : f32
    %jit3A_31 = arith.constant 0 : i32
    %select_n3A_32 = arith.select %ge3A_30, %div3A_22, %jit3A_31 : i32
    %jit3A_33 = arith.constant 1152 : i32
    %select_n3A_34 = arith.select %ge3A_30, %jit3A_33, %div3A_22 : i32
    %add3A_35 = arith.addi %select_n3A_32, %select_n3A_34 : i32
    %div3A_36 = arith.constant 2 : i32
    %div3A_37 = arith.divsi %add3A_35, %div3A_36 : i32
    %ge3A_38 = vector.broadcast %div3A_37 : i32 to vector<144x128xi32>
    %ge3A_39 = arith.cmpi sge, %shift_right_logical3A_4, %ge3A_38 : vector<144x128xi32>
    %jit3A_40 = arith.constant 0.000000e+00 : f32
    %broadcast_in_dim3A_41 = vector.broadcast %jit3A_40 : f32 to vector<144x128xf32>
    %select_n3A_42 = arith.select %ge3A_39, %reduce_sum3A_10, %broadcast_in_dim3A_41 : vector<144x128xi1>, vector<144x128xf32>
    %reduce_sum3A_43 = vector.shape_cast %select_n3A_42 : vector<144x128xf32> to vector<1x144x128xf32>
    %reduce_sum3A_44 = arith.constant dense<0.000000e+00> : vector<1xf32>
    %reduce_sum3A_45 = vector.multi_reduction <add>, %reduce_sum3A_43, %reduce_sum3A_44 [1, 2] : vector<1x144x128xf32> to vector<1xf32>
    %reduce_sum3A_46 = vector.shape_cast %reduce_sum3A_45 : vector<1xf32> to vector<1x1x1xf32>
    %reduce_sum3A_47 = vector.extract %reduce_sum3A_46[0, 0, 0] : f32 from vector<1x1x1xf32>
    %ge3A_48 = arith.constant 1.572860e+05 : f32
    %ge3A_49 = arith.cmpf oge, %reduce_sum3A_47, %ge3A_48 : f32
    %select_n3A_50 = arith.select %ge3A_49, %div3A_37, %select_n3A_32 : i32
    %select_n3A_51 = arith.select %ge3A_49, %select_n3A_34, %div3A_37 : i32
    %add3A_52 = arith.addi %select_n3A_50, %select_n3A_51 : i32
    %div3A_53 = arith.constant 2 : i32
    %div3A_54 = arith.divsi %add3A_52, %div3A_53 : i32
    %ge3A_55 = vector.broadcast %div3A_54 : i32 to vector<144x128xi32>
    %ge3A_56 = arith.cmpi sge, %shift_right_logical3A_4, %ge3A_55 : vector<144x128xi32>
    %jit3A_57 = arith.constant 0.000000e+00 : f32
    %broadcast_in_dim3A_58 = vector.broadcast %jit3A_57 : f32 to vector<144x128xf32>
    %select_n3A_59 = arith.select %ge3A_56, %reduce_sum3A_10, %broadcast_in_dim3A_58 : vector<144x128xi1>, vector<144x128xf32>
    %reduce_sum3A_60 = vector.shape_cast %select_n3A_59 : vector<144x128xf32> to vector<1x144x128xf32>
    %reduce_sum3A_61 = arith.constant dense<0.000000e+00> : vector<1xf32>
    %reduce_sum3A_62 = vector.multi_reduction <add>, %reduce_sum3A_60, %reduce_sum3A_61 [1, 2] : vector<1x144x128xf32> to vector<1xf32>
    %reduce_sum3A_63 = vector.shape_cast %reduce_sum3A_62 : vector<1xf32> to vector<1x1x1xf32>
    %reduce_sum3A_64 = vector.extract %reduce_sum3A_63[0, 0, 0] : f32 from vector<1x1x1xf32>
    %ge3A_65 = arith.constant 1.572860e+05 : f32
    %ge3A_66 = arith.cmpf oge, %reduce_sum3A_64, %ge3A_65 : f32
    %select_n3A_67 = arith.select %ge3A_66, %div3A_54, %select_n3A_50 : i32
    %select_n3A_68 = arith.select %ge3A_66, %select_n3A_51, %div3A_54 : i32
    %add3A_69 = arith.addi %select_n3A_67, %select_n3A_68 : i32
    %div3A_70 = arith.constant 2 : i32
    %div3A_71 = arith.divsi %add3A_69, %div3A_70 : i32
    %ge3A_72 = vector.broadcast %div3A_71 : i32 to vector<144x128xi32>
    %ge3A_73 = arith.cmpi sge, %shift_right_logical3A_4, %ge3A_72 : vector<144x128xi32>
    %jit3A_74 = arith.constant 0.000000e+00 : f32
    %broadcast_in_dim3A_75 = vector.broadcast %jit3A_74 : f32 to vector<144x128xf32>
    %select_n3A_76 = arith.select %ge3A_73, %reduce_sum3A_10, %broadcast_in_dim3A_75 : vector<144x128xi1>, vector<144x128xf32>
    %reduce_sum3A_77 = vector.shape_cast %select_n3A_76 : vector<144x128xf32> to vector<1x144x128xf32>
    %reduce_sum3A_78 = arith.constant dense<0.000000e+00> : vector<1xf32>
    %reduce_sum3A_79 = vector.multi_reduction <add>, %reduce_sum3A_77, %reduce_sum3A_78 [1, 2] : vector<1x144x128xf32> to vector<1xf32>
    %reduce_sum3A_80 = vector.shape_cast %reduce_sum3A_79 : vector<1xf32> to vector<1x1x1xf32>
    %reduce_sum3A_81 = vector.extract %reduce_sum3A_80[0, 0, 0] : f32 from vector<1x1x1xf32>
    %ge3A_82 = arith.constant 1.572860e+05 : f32
    %ge3A_83 = arith.cmpf oge, %reduce_sum3A_81, %ge3A_82 : f32
    %select_n3A_84 = arith.select %ge3A_83, %div3A_71, %select_n3A_67 : i32
    %select_n3A_85 = arith.select %ge3A_83, %select_n3A_68, %div3A_71 : i32
    %add3A_86 = arith.addi %select_n3A_84, %select_n3A_85 : i32
    %div3A_87 = arith.constant 2 : i32
    %div3A_88 = arith.divsi %add3A_86, %div3A_87 : i32
    %ge3A_89 = vector.broadcast %div3A_88 : i32 to vector<144x128xi32>
    %ge3A_90 = arith.cmpi sge, %shift_right_logical3A_4, %ge3A_89 : vector<144x128xi32>
    %jit3A_91 = arith.constant 0.000000e+00 : f32
    %broadcast_in_dim3A_92 = vector.broadcast %jit3A_91 : f32 to vector<144x128xf32>
    %select_n3A_93 = arith.select %ge3A_90, %reduce_sum3A_10, %broadcast_in_dim3A_92 : vector<144x128xi1>, vector<144x128xf32>
    %reduce_sum3A_94 = vector.shape_cast %select_n3A_93 : vector<144x128xf32> to vector<1x144x128xf32>
    %reduce_sum3A_95 = arith.constant dense<0.000000e+00> : vector<1xf32>
    %reduce_sum3A_96 = vector.multi_reduction <add>, %reduce_sum3A_94, %reduce_sum3A_95 [1, 2] : vector<1x144x128xf32> to vector<1xf32>
    %reduce_sum3A_97 = vector.shape_cast %reduce_sum3A_96 : vector<1xf32> to vector<1x1x1xf32>
    %reduce_sum3A_98 = vector.extract %reduce_sum3A_97[0, 0, 0] : f32 from vector<1x1x1xf32>
    %ge3A_99 = arith.constant 1.572860e+05 : f32
    %ge3A_100 = arith.cmpf oge, %reduce_sum3A_98, %ge3A_99 : f32
    %select_n3A_101 = arith.select %ge3A_100, %div3A_88, %select_n3A_84 : i32
    %select_n3A_102 = arith.select %ge3A_100, %select_n3A_85, %div3A_88 : i32
    %add3A_103 = arith.addi %select_n3A_101, %select_n3A_102 : i32
    %div3A_104 = arith.constant 2 : i32
    %div3A_105 = arith.divsi %add3A_103, %div3A_104 : i32
    %ge3A_106 = vector.broadcast %div3A_105 : i32 to vector<144x128xi32>
    %ge3A_107 = arith.cmpi sge, %shift_right_logical3A_4, %ge3A_106 : vector<144x128xi32>
    %jit3A_108 = arith.constant 0.000000e+00 : f32
    %broadcast_in_dim3A_109 = vector.broadcast %jit3A_108 : f32 to vector<144x128xf32>
    %select_n3A_110 = arith.select %ge3A_107, %reduce_sum3A_10, %broadcast_in_dim3A_109 : vector<144x128xi1>, vector<144x128xf32>
    %reduce_sum3A_111 = vector.shape_cast %select_n3A_110 : vector<144x128xf32> to vector<1x144x128xf32>
    %reduce_sum3A_112 = arith.constant dense<0.000000e+00> : vector<1xf32>
    %reduce_sum3A_113 = vector.multi_reduction <add>, %reduce_sum3A_111, %reduce_sum3A_112 [1, 2] : vector<1x144x128xf32> to vector<1xf32>
    %reduce_sum3A_114 = vector.shape_cast %reduce_sum3A_113 : vector<1xf32> to vector<1x1x1xf32>
    %reduce_sum3A_115 = vector.extract %reduce_sum3A_114[0, 0, 0] : f32 from vector<1x1x1xf32>
    %ge3A_116 = arith.constant 1.572860e+05 : f32
    %ge3A_117 = arith.cmpf oge, %reduce_sum3A_115, %ge3A_116 : f32
    %select_n3A_118 = arith.select %ge3A_117, %div3A_105, %select_n3A_101 : i32
    %select_n3A_119 = arith.select %ge3A_117, %select_n3A_102, %div3A_105 : i32
    %add3A_120 = arith.addi %select_n3A_118, %select_n3A_119 : i32
    %div3A_121 = arith.constant 2 : i32
    %div3A_122 = arith.divsi %add3A_120, %div3A_121 : i32
    %ge3A_123 = vector.broadcast %div3A_122 : i32 to vector<144x128xi32>
    %ge3A_124 = arith.cmpi sge, %shift_right_logical3A_4, %ge3A_123 : vector<144x128xi32>
    %jit3A_125 = arith.constant 0.000000e+00 : f32
    %broadcast_in_dim3A_126 = vector.broadcast %jit3A_125 : f32 to vector<144x128xf32>
    %select_n3A_127 = arith.select %ge3A_124, %reduce_sum3A_10, %broadcast_in_dim3A_126 : vector<144x128xi1>, vector<144x128xf32>
    %reduce_sum3A_128 = vector.shape_cast %select_n3A_127 : vector<144x128xf32> to vector<1x144x128xf32>
    %reduce_sum3A_129 = arith.constant dense<0.000000e+00> : vector<1xf32>
    %reduce_sum3A_130 = vector.multi_reduction <add>, %reduce_sum3A_128, %reduce_sum3A_129 [1, 2] : vector<1x144x128xf32> to vector<1xf32>
    %reduce_sum3A_131 = vector.shape_cast %reduce_sum3A_130 : vector<1xf32> to vector<1x1x1xf32>
    %reduce_sum3A_132 = vector.extract %reduce_sum3A_131[0, 0, 0] : f32 from vector<1x1x1xf32>
    %ge3A_133 = arith.constant 1.572860e+05 : f32
    %ge3A_134 = arith.cmpf oge, %reduce_sum3A_132, %ge3A_133 : f32
    %select_n3A_135 = arith.select %ge3A_134, %div3A_122, %select_n3A_118 : i32
    %select_n3A_136 = arith.select %ge3A_134, %select_n3A_119, %div3A_122 : i32
    %add3A_137 = arith.addi %select_n3A_135, %select_n3A_136 : i32
    %div3A_138 = arith.constant 2 : i32
    %div3A_139 = arith.divsi %add3A_137, %div3A_138 : i32
    %ge3A_140 = vector.broadcast %div3A_139 : i32 to vector<144x128xi32>
    %ge3A_141 = arith.cmpi sge, %shift_right_logical3A_4, %ge3A_140 : vector<144x128xi32>
    %jit3A_142 = arith.constant 0.000000e+00 : f32
    %broadcast_in_dim3A_143 = vector.broadcast %jit3A_142 : f32 to vector<144x128xf32>
    %select_n3A_144 = arith.select %ge3A_141, %reduce_sum3A_10, %broadcast_in_dim3A_143 : vector<144x128xi1>, vector<144x128xf32>
    %reduce_sum3A_145 = vector.shape_cast %select_n3A_144 : vector<144x128xf32> to vector<1x144x128xf32>
    %reduce_sum3A_146 = arith.constant dense<0.000000e+00> : vector<1xf32>
    %reduce_sum3A_147 = vector.multi_reduction <add>, %reduce_sum3A_145, %reduce_sum3A_146 [1, 2] : vector<1x144x128xf32> to vector<1xf32>
    %reduce_sum3A_148 = vector.shape_cast %reduce_sum3A_147 : vector<1xf32> to vector<1x1x1xf32>
    %reduce_sum3A_149 = vector.extract %reduce_sum3A_148[0, 0, 0] : f32 from vector<1x1x1xf32>
    %ge3A_150 = arith.constant 1.572860e+05 : f32
    %ge3A_151 = arith.cmpf oge, %reduce_sum3A_149, %ge3A_150 : f32
    %select_n3A_152 = arith.select %ge3A_151, %div3A_139, %select_n3A_135 : i32
    %select_n3A_153 = arith.select %ge3A_151, %select_n3A_136, %div3A_139 : i32
    %add3A_154 = arith.addi %select_n3A_152, %select_n3A_153 : i32
    %div3A_155 = arith.constant 2 : i32
    %div3A_156 = arith.divsi %add3A_154, %div3A_155 : i32
    %ge3A_157 = vector.broadcast %div3A_156 : i32 to vector<144x128xi32>
    %ge3A_158 = arith.cmpi sge, %shift_right_logical3A_4, %ge3A_157 : vector<144x128xi32>
    %jit3A_159 = arith.constant 0.000000e+00 : f32
    %broadcast_in_dim3A_160 = vector.broadcast %jit3A_159 : f32 to vector<144x128xf32>
    %select_n3A_161 = arith.select %ge3A_158, %reduce_sum3A_10, %broadcast_in_dim3A_160 : vector<144x128xi1>, vector<144x128xf32>
    %reduce_sum3A_162 = vector.shape_cast %select_n3A_161 : vector<144x128xf32> to vector<1x144x128xf32>
    %reduce_sum3A_163 = arith.constant dense<0.000000e+00> : vector<1xf32>
    %reduce_sum3A_164 = vector.multi_reduction <add>, %reduce_sum3A_162, %reduce_sum3A_163 [1, 2] : vector<1x144x128xf32> to vector<1xf32>
    %reduce_sum3A_165 = vector.shape_cast %reduce_sum3A_164 : vector<1xf32> to vector<1x1x1xf32>
    %reduce_sum3A_166 = vector.extract %reduce_sum3A_165[0, 0, 0] : f32 from vector<1x1x1xf32>
    %ge3A_167 = arith.constant 1.572860e+05 : f32
    %ge3A_168 = arith.cmpf oge, %reduce_sum3A_166, %ge3A_167 : f32
    %select_n3A_169 = arith.select %ge3A_168, %div3A_156, %select_n3A_152 : i32
    %select_n3A_170 = arith.select %ge3A_168, %select_n3A_153, %div3A_156 : i32
    %add3A_171 = arith.addi %select_n3A_169, %select_n3A_170 : i32
    %div3A_172 = arith.constant 2 : i32
    %div3A_173 = arith.divsi %add3A_171, %div3A_172 : i32
    %ge3A_174 = vector.broadcast %div3A_173 : i32 to vector<144x128xi32>
    %ge3A_175 = arith.cmpi sge, %shift_right_logical3A_4, %ge3A_174 : vector<144x128xi32>
    %jit3A_176 = arith.constant 0.000000e+00 : f32
    %broadcast_in_dim3A_177 = vector.broadcast %jit3A_176 : f32 to vector<144x128xf32>
    %select_n3A_178 = arith.select %ge3A_175, %reduce_sum3A_10, %broadcast_in_dim3A_177 : vector<144x128xi1>, vector<144x128xf32>
    %reduce_sum3A_179 = vector.shape_cast %select_n3A_178 : vector<144x128xf32> to vector<1x144x128xf32>
    %reduce_sum3A_180 = arith.constant dense<0.000000e+00> : vector<1xf32>
    %reduce_sum3A_181 = vector.multi_reduction <add>, %reduce_sum3A_179, %reduce_sum3A_180 [1, 2] : vector<1x144x128xf32> to vector<1xf32>
    %reduce_sum3A_182 = vector.shape_cast %reduce_sum3A_181 : vector<1xf32> to vector<1x1x1xf32>
    %reduce_sum3A_183 = vector.extract %reduce_sum3A_182[0, 0, 0] : f32 from vector<1x1x1xf32>
    %ge3A_184 = arith.constant 1.572860e+05 : f32
    %ge3A_185 = arith.cmpf oge, %reduce_sum3A_183, %ge3A_184 : f32
    %select_n3A_186 = arith.select %ge3A_185, %div3A_173, %select_n3A_169 : i32
    %select_n3A_187 = arith.select %ge3A_185, %select_n3A_170, %div3A_173 : i32
    %add3A_188 = arith.addi %select_n3A_186, %select_n3A_187 : i32
    %div3A_189 = arith.constant 2 : i32
    %div3A_190 = arith.divsi %add3A_188, %div3A_189 : i32
    %ge3A_191 = vector.broadcast %div3A_190 : i32 to vector<144x128xi32>
    %ge3A_192 = arith.cmpi sge, %shift_right_logical3A_4, %ge3A_191 : vector<144x128xi32>
    %jit3A_193 = arith.constant 0.000000e+00 : f32
    %broadcast_in_dim3A_194 = vector.broadcast %jit3A_193 : f32 to vector<144x128xf32>
    %select_n3A_195 = arith.select %ge3A_192, %reduce_sum3A_10, %broadcast_in_dim3A_194 : vector<144x128xi1>, vector<144x128xf32>
    %reduce_sum3A_196 = vector.shape_cast %select_n3A_195 : vector<144x128xf32> to vector<1x144x128xf32>
    %reduce_sum3A_197 = arith.constant dense<0.000000e+00> : vector<1xf32>
    %reduce_sum3A_198 = vector.multi_reduction <add>, %reduce_sum3A_196, %reduce_sum3A_197 [1, 2] : vector<1x144x128xf32> to vector<1xf32>
    %reduce_sum3A_199 = vector.shape_cast %reduce_sum3A_198 : vector<1xf32> to vector<1x1x1xf32>
    %reduce_sum3A_200 = vector.extract %reduce_sum3A_199[0, 0, 0] : f32 from vector<1x1x1xf32>
    %ge3A_201 = arith.constant 1.572860e+05 : f32
    %ge3A_202 = arith.cmpf oge, %reduce_sum3A_200, %ge3A_201 : f32
    %select_n3A_203 = arith.select %ge3A_202, %div3A_190, %select_n3A_186 : i32
    %ge3A_204 = vector.broadcast %select_n3A_203 : i32 to vector<144x128xi32>
    %ge3A_205 = arith.cmpi sge, %shift_right_logical3A_4, %ge3A_204 : vector<144x128xi32>
    %add3A_206 = arith.constant 1 : i32
    %add3A_207 = arith.addi %select_n3A_203, %add3A_206 : i32
    %ge3A_208 = vector.broadcast %add3A_207 : i32 to vector<144x128xi32>
    %ge3A_209 = arith.cmpi sge, %shift_right_logical3A_4, %ge3A_208 : vector<144x128xi32>
    %jit3A_210 = arith.constant 0.000000e+00 : f32
    %broadcast_in_dim3A_211 = vector.broadcast %jit3A_210 : f32 to vector<144x128xf32>
    %select_n3A_212 = arith.select %ge3A_205, %reduce_sum3A_18, %broadcast_in_dim3A_211 : vector<144x128xi1>, vector<144x128xf32>
    %reduce_sum3A_213 = vector.shape_cast %select_n3A_212 : vector<144x128xf32> to vector<1x144x128xf32>
    %reduce_sum3A_214 = arith.constant dense<0.000000e+00> : vector<1xf32>
    %reduce_sum3A_215 = vector.multi_reduction <add>, %reduce_sum3A_213, %reduce_sum3A_214 [1, 2] : vector<1x144x128xf32> to vector<1xf32>
    %reduce_sum3A_216 = vector.shape_cast %reduce_sum3A_215 : vector<1xf32> to vector<1x1x1xf32>
    %reduce_sum3A_217 = vector.extract %reduce_sum3A_216[0, 0, 0] : f32 from vector<1x1x1xf32>
    %jit3A_218 = arith.constant 0.000000e+00 : f32
    %broadcast_in_dim3A_219 = vector.broadcast %jit3A_218 : f32 to vector<144x128xf32>
    %select_n3A_220 = arith.select %ge3A_205, %reduce_sum3A_10, %broadcast_in_dim3A_219 : vector<144x128xi1>, vector<144x128xf32>
    %reduce_sum3A_221 = vector.shape_cast %select_n3A_220 : vector<144x128xf32> to vector<1x144x128xf32>
    %reduce_sum3A_222 = arith.constant dense<0.000000e+00> : vector<1xf32>
    %reduce_sum3A_223 = vector.multi_reduction <add>, %reduce_sum3A_221, %reduce_sum3A_222 [1, 2] : vector<1x144x128xf32> to vector<1xf32>
    %reduce_sum3A_224 = vector.shape_cast %reduce_sum3A_223 : vector<1xf32> to vector<1x1x1xf32>
    %reduce_sum3A_225 = vector.extract %reduce_sum3A_224[0, 0, 0] : f32 from vector<1x1x1xf32>
    %jit3A_226 = arith.constant 0.000000e+00 : f32
    %broadcast_in_dim3A_227 = vector.broadcast %jit3A_226 : f32 to vector<144x128xf32>
    %select_n3A_228 = arith.select %ge3A_209, %reduce_sum3A_10, %broadcast_in_dim3A_227 : vector<144x128xi1>, vector<144x128xf32>
    %reduce_sum3A_229 = vector.shape_cast %select_n3A_228 : vector<144x128xf32> to vector<1x144x128xf32>
    %reduce_sum3A_230 = arith.constant dense<0.000000e+00> : vector<1xf32>
    %reduce_sum3A_231 = vector.multi_reduction <add>, %reduce_sum3A_229, %reduce_sum3A_230 [1, 2] : vector<1x144x128xf32> to vector<1xf32>
    %reduce_sum3A_232 = vector.shape_cast %reduce_sum3A_231 : vector<1xf32> to vector<1x1x1xf32>
    %reduce_sum3A_233 = vector.extract %reduce_sum3A_232[0, 0, 0] : f32 from vector<1x1x1xf32>
    %add3A_234 = arith.constant 7488 : i32
    %add3A_235 = arith.addi %select_n3A_203, %add3A_234 : i32
    %shift_left3A = arith.constant 17 : i32
    %shift_left3A_236 = arith.shli %add3A_235, %shift_left3A : i32
    %broadcast_in_dim3A_237 = vector.broadcast %shift_left3A_236 : i32 to vector<8x128xi32>
    %add3A_238 = arith.constant 1 : i32
    %add3A_239 = arith.addi %select_n3A_203, %add3A_238 : i32
    %add3A_240 = arith.constant 7488 : i32
    %add3A_241 = arith.addi %add3A_239, %add3A_240 : i32
    %shift_left3A_242 = arith.constant 17 : i32
    %shift_left3A_243 = arith.shli %add3A_241, %shift_left3A_242 : i32
    %broadcast_in_dim3A_244 = vector.broadcast %shift_left3A_243 : i32 to vector<8x128xi32>
    %bitcast_convert_type3A = tpu.bitcast %broadcast_in_dim3A_237 : vector<8x128xi32> -> vector<8x128xf32>
    %reduce_max3A = vector.shape_cast %bitcast_convert_type3A : vector<8x128xf32> to vector<1x8x128xf32>
    %reduce_max3A_245 = arith.constant dense<0xFF800000> : vector<1xf32>
    %reduce_max3A_246 = vector.multi_reduction <maximumf>, %reduce_max3A, %reduce_max3A_245 [1, 2] : vector<1x8x128xf32> to vector<1xf32>
    %reduce_max3A_247 = vector.shape_cast %reduce_max3A_246 : vector<1xf32> to vector<1x1x1xf32>
    %reduce_max3A_248 = vector.extract %reduce_max3A_247[0, 0, 0] : f32 from vector<1x1x1xf32>
    %bitcast_convert_type3A_249 = tpu.bitcast %broadcast_in_dim3A_244 : vector<8x128xi32> -> vector<8x128xf32>
    %reduce_max3A_250 = vector.shape_cast %bitcast_convert_type3A_249 : vector<8x128xf32> to vector<1x8x128xf32>
    %reduce_max3A_251 = arith.constant dense<0xFF800000> : vector<1xf32>
    %reduce_max3A_252 = vector.multi_reduction <maximumf>, %reduce_max3A_250, %reduce_max3A_251 [1, 2] : vector<1x8x128xf32> to vector<1xf32>
    %reduce_max3A_253 = vector.shape_cast %reduce_max3A_252 : vector<1xf32> to vector<1x1x1xf32>
    %reduce_max3A_254 = vector.extract %reduce_max3A_253[0, 0, 0] : f32 from vector<1x1x1xf32>
    %sub3A = arith.subf %reduce_sum3A_225, %reduce_sum3A_233 : f32
    %max3A = arith.constant 1.000000e+00 : f32
    %max3A_255 = arith.maximumf %sub3A, %max3A : f32
    %sub3A_256 = arith.constant 1.572860e+05 : f32
    %sub3A_257 = arith.subf %reduce_sum3A_225, %sub3A_256 : f32
    %max3A_258 = arith.constant 0.000000e+00 : f32
    %max3A_259 = arith.maximumf %sub3A_257, %max3A_258 : f32
    %sub3A_260 = arith.subf %reduce_max3A_254, %reduce_max3A_248 : f32
    %mul3A_261 = arith.mulf %sub3A_260, %max3A_259 : f32
    %mul3A_262 = arith.constant 2.000000e+00 : f32
    %mul3A_263 = arith.mulf %mul3A_262, %max3A_255 : f32
    %div3A_264 = arith.divf %mul3A_261, %mul3A_263 : f32
    %add3A_265 = arith.addf %reduce_max3A_248, %div3A_264 : f32
    %mul3A_266 = arith.mulf %max3A_259, %add3A_265 : f32
    %sub3A_267 = arith.subf %reduce_sum3A_217, %mul3A_266 : f32
    %add3A_268 = arith.constant 0.000000e+00 : f32
    %add3A_269 = arith.addf %add3A_268, %sub3A_267 : f32
    %get3A_270 = arith.constant 0 : index
    %get3A_271 = arith.constant 0 : index
    %get3A_272 = arith.constant 0 : index
    %get3A_273 = arith.constant 0 : index
    %get3A_274 = vector.load %arg2[%get3A_270, %get3A_271, %get3A_272, %get3A_273] : memref<32x2x144x128xf32, #tpu.memory_space<vmem>>, vector<32x1x144x128xf32>
    %get3A_275 = vector.shape_cast %get3A_274 : vector<32x1x144x128xf32> to vector<32x144x128xf32>
    %reduce_sum3A_276 = arith.constant dense<0.000000e+00> : vector<144x128xf32>
    %reduce_sum3A_277 = vector.multi_reduction <add>, %get3A_275, %reduce_sum3A_276 [0] : vector<32x144x128xf32> to vector<144x128xf32>
    %get3A_278 = arith.constant 0 : index
    %get3A_279 = arith.constant 1 : index
    %get3A_280 = arith.constant 0 : index
    %get3A_281 = arith.constant 0 : index
    %get3A_282 = vector.load %arg2[%get3A_278, %get3A_279, %get3A_280, %get3A_281] : memref<32x2x144x128xf32, #tpu.memory_space<vmem>>, vector<32x1x144x128xf32>
    %get3A_283 = vector.shape_cast %get3A_282 : vector<32x1x144x128xf32> to vector<32x144x128xf32>
    %reduce_sum3A_284 = arith.constant dense<0.000000e+00> : vector<144x128xf32>
    %reduce_sum3A_285 = vector.multi_reduction <add>, %get3A_283, %reduce_sum3A_284 [0] : vector<32x144x128xf32> to vector<144x128xf32>
    %add3A_286 = arith.constant 0 : i32
    %add3A_287 = arith.constant 1152 : i32
    %add3A_288 = arith.addi %add3A_286, %add3A_287 : i32
    %div3A_289 = arith.constant 2 : i32
    %div3A_290 = arith.divsi %add3A_288, %div3A_289 : i32
    %ge3A_291 = vector.broadcast %div3A_290 : i32 to vector<144x128xi32>
    %ge3A_292 = arith.cmpi sge, %shift_right_logical3A_4, %ge3A_291 : vector<144x128xi32>
    %jit3A_293 = arith.constant 0.000000e+00 : f32
    %broadcast_in_dim3A_294 = vector.broadcast %jit3A_293 : f32 to vector<144x128xf32>
    %select_n3A_295 = arith.select %ge3A_292, %reduce_sum3A_277, %broadcast_in_dim3A_294 : vector<144x128xi1>, vector<144x128xf32>
    %reduce_sum3A_296 = vector.shape_cast %select_n3A_295 : vector<144x128xf32> to vector<1x144x128xf32>
    %reduce_sum3A_297 = arith.constant dense<0.000000e+00> : vector<1xf32>
    %reduce_sum3A_298 = vector.multi_reduction <add>, %reduce_sum3A_296, %reduce_sum3A_297 [1, 2] : vector<1x144x128xf32> to vector<1xf32>
    %reduce_sum3A_299 = vector.shape_cast %reduce_sum3A_298 : vector<1xf32> to vector<1x1x1xf32>
    %reduce_sum3A_300 = vector.extract %reduce_sum3A_299[0, 0, 0] : f32 from vector<1x1x1xf32>
    %ge3A_301 = arith.constant 1.572860e+05 : f32
    %ge3A_302 = arith.cmpf oge, %reduce_sum3A_300, %ge3A_301 : f32
    %jit3A_303 = arith.constant 0 : i32
    %select_n3A_304 = arith.select %ge3A_302, %div3A_290, %jit3A_303 : i32
    %jit3A_305 = arith.constant 1152 : i32
    %select_n3A_306 = arith.select %ge3A_302, %jit3A_305, %div3A_290 : i32
    %add3A_307 = arith.addi %select_n3A_304, %select_n3A_306 : i32
    %div3A_308 = arith.constant 2 : i32
    %div3A_309 = arith.divsi %add3A_307, %div3A_308 : i32
    %ge3A_310 = vector.broadcast %div3A_309 : i32 to vector<144x128xi32>
    %ge3A_311 = arith.cmpi sge, %shift_right_logical3A_4, %ge3A_310 : vector<144x128xi32>
    %jit3A_312 = arith.constant 0.000000e+00 : f32
    %broadcast_in_dim3A_313 = vector.broadcast %jit3A_312 : f32 to vector<144x128xf32>
    %select_n3A_314 = arith.select %ge3A_311, %reduce_sum3A_277, %broadcast_in_dim3A_313 : vector<144x128xi1>, vector<144x128xf32>
    %reduce_sum3A_315 = vector.shape_cast %select_n3A_314 : vector<144x128xf32> to vector<1x144x128xf32>
    %reduce_sum3A_316 = arith.constant dense<0.000000e+00> : vector<1xf32>
    %reduce_sum3A_317 = vector.multi_reduction <add>, %reduce_sum3A_315, %reduce_sum3A_316 [1, 2] : vector<1x144x128xf32> to vector<1xf32>
    %reduce_sum3A_318 = vector.shape_cast %reduce_sum3A_317 : vector<1xf32> to vector<1x1x1xf32>
    %reduce_sum3A_319 = vector.extract %reduce_sum3A_318[0, 0, 0] : f32 from vector<1x1x1xf32>
    %ge3A_320 = arith.constant 1.572860e+05 : f32
    %ge3A_321 = arith.cmpf oge, %reduce_sum3A_319, %ge3A_320 : f32
    %select_n3A_322 = arith.select %ge3A_321, %div3A_309, %select_n3A_304 : i32
    %select_n3A_323 = arith.select %ge3A_321, %select_n3A_306, %div3A_309 : i32
    %add3A_324 = arith.addi %select_n3A_322, %select_n3A_323 : i32
    %div3A_325 = arith.constant 2 : i32
    %div3A_326 = arith.divsi %add3A_324, %div3A_325 : i32
    %ge3A_327 = vector.broadcast %div3A_326 : i32 to vector<144x128xi32>
    %ge3A_328 = arith.cmpi sge, %shift_right_logical3A_4, %ge3A_327 : vector<144x128xi32>
    %jit3A_329 = arith.constant 0.000000e+00 : f32
    %broadcast_in_dim3A_330 = vector.broadcast %jit3A_329 : f32 to vector<144x128xf32>
    %select_n3A_331 = arith.select %ge3A_328, %reduce_sum3A_277, %broadcast_in_dim3A_330 : vector<144x128xi1>, vector<144x128xf32>
    %reduce_sum3A_332 = vector.shape_cast %select_n3A_331 : vector<144x128xf32> to vector<1x144x128xf32>
    %reduce_sum3A_333 = arith.constant dense<0.000000e+00> : vector<1xf32>
    %reduce_sum3A_334 = vector.multi_reduction <add>, %reduce_sum3A_332, %reduce_sum3A_333 [1, 2] : vector<1x144x128xf32> to vector<1xf32>
    %reduce_sum3A_335 = vector.shape_cast %reduce_sum3A_334 : vector<1xf32> to vector<1x1x1xf32>
    %reduce_sum3A_336 = vector.extract %reduce_sum3A_335[0, 0, 0] : f32 from vector<1x1x1xf32>
    %ge3A_337 = arith.constant 1.572860e+05 : f32
    %ge3A_338 = arith.cmpf oge, %reduce_sum3A_336, %ge3A_337 : f32
    %select_n3A_339 = arith.select %ge3A_338, %div3A_326, %select_n3A_322 : i32
    %select_n3A_340 = arith.select %ge3A_338, %select_n3A_323, %div3A_326 : i32
    %add3A_341 = arith.addi %select_n3A_339, %select_n3A_340 : i32
    %div3A_342 = arith.constant 2 : i32
    %div3A_343 = arith.divsi %add3A_341, %div3A_342 : i32
    %ge3A_344 = vector.broadcast %div3A_343 : i32 to vector<144x128xi32>
    %ge3A_345 = arith.cmpi sge, %shift_right_logical3A_4, %ge3A_344 : vector<144x128xi32>
    %jit3A_346 = arith.constant 0.000000e+00 : f32
    %broadcast_in_dim3A_347 = vector.broadcast %jit3A_346 : f32 to vector<144x128xf32>
    %select_n3A_348 = arith.select %ge3A_345, %reduce_sum3A_277, %broadcast_in_dim3A_347 : vector<144x128xi1>, vector<144x128xf32>
    %reduce_sum3A_349 = vector.shape_cast %select_n3A_348 : vector<144x128xf32> to vector<1x144x128xf32>
    %reduce_sum3A_350 = arith.constant dense<0.000000e+00> : vector<1xf32>
    %reduce_sum3A_351 = vector.multi_reduction <add>, %reduce_sum3A_349, %reduce_sum3A_350 [1, 2] : vector<1x144x128xf32> to vector<1xf32>
    %reduce_sum3A_352 = vector.shape_cast %reduce_sum3A_351 : vector<1xf32> to vector<1x1x1xf32>
    %reduce_sum3A_353 = vector.extract %reduce_sum3A_352[0, 0, 0] : f32 from vector<1x1x1xf32>
    %ge3A_354 = arith.constant 1.572860e+05 : f32
    %ge3A_355 = arith.cmpf oge, %reduce_sum3A_353, %ge3A_354 : f32
    %select_n3A_356 = arith.select %ge3A_355, %div3A_343, %select_n3A_339 : i32
    %select_n3A_357 = arith.select %ge3A_355, %select_n3A_340, %div3A_343 : i32
    %add3A_358 = arith.addi %select_n3A_356, %select_n3A_357 : i32
    %div3A_359 = arith.constant 2 : i32
    %div3A_360 = arith.divsi %add3A_358, %div3A_359 : i32
    %ge3A_361 = vector.broadcast %div3A_360 : i32 to vector<144x128xi32>
    %ge3A_362 = arith.cmpi sge, %shift_right_logical3A_4, %ge3A_361 : vector<144x128xi32>
    %jit3A_363 = arith.constant 0.000000e+00 : f32
    %broadcast_in_dim3A_364 = vector.broadcast %jit3A_363 : f32 to vector<144x128xf32>
    %select_n3A_365 = arith.select %ge3A_362, %reduce_sum3A_277, %broadcast_in_dim3A_364 : vector<144x128xi1>, vector<144x128xf32>
    %reduce_sum3A_366 = vector.shape_cast %select_n3A_365 : vector<144x128xf32> to vector<1x144x128xf32>
    %reduce_sum3A_367 = arith.constant dense<0.000000e+00> : vector<1xf32>
    %reduce_sum3A_368 = vector.multi_reduction <add>, %reduce_sum3A_366, %reduce_sum3A_367 [1, 2] : vector<1x144x128xf32> to vector<1xf32>
    %reduce_sum3A_369 = vector.shape_cast %reduce_sum3A_368 : vector<1xf32> to vector<1x1x1xf32>
    %reduce_sum3A_370 = vector.extract %reduce_sum3A_369[0, 0, 0] : f32 from vector<1x1x1xf32>
    %ge3A_371 = arith.constant 1.572860e+05 : f32
    %ge3A_372 = arith.cmpf oge, %reduce_sum3A_370, %ge3A_371 : f32
    %select_n3A_373 = arith.select %ge3A_372, %div3A_360, %select_n3A_356 : i32
    %select_n3A_374 = arith.select %ge3A_372, %select_n3A_357, %div3A_360 : i32
    %add3A_375 = arith.addi %select_n3A_373, %select_n3A_374 : i32
    %div3A_376 = arith.constant 2 : i32
    %div3A_377 = arith.divsi %add3A_375, %div3A_376 : i32
    %ge3A_378 = vector.broadcast %div3A_377 : i32 to vector<144x128xi32>
    %ge3A_379 = arith.cmpi sge, %shift_right_logical3A_4, %ge3A_378 : vector<144x128xi32>
    %jit3A_380 = arith.constant 0.000000e+00 : f32
    %broadcast_in_dim3A_381 = vector.broadcast %jit3A_380 : f32 to vector<144x128xf32>
    %select_n3A_382 = arith.select %ge3A_379, %reduce_sum3A_277, %broadcast_in_dim3A_381 : vector<144x128xi1>, vector<144x128xf32>
    %reduce_sum3A_383 = vector.shape_cast %select_n3A_382 : vector<144x128xf32> to vector<1x144x128xf32>
    %reduce_sum3A_384 = arith.constant dense<0.000000e+00> : vector<1xf32>
    %reduce_sum3A_385 = vector.multi_reduction <add>, %reduce_sum3A_383, %reduce_sum3A_384 [1, 2] : vector<1x144x128xf32> to vector<1xf32>
    %reduce_sum3A_386 = vector.shape_cast %reduce_sum3A_385 : vector<1xf32> to vector<1x1x1xf32>
    %reduce_sum3A_387 = vector.extract %reduce_sum3A_386[0, 0, 0] : f32 from vector<1x1x1xf32>
    %ge3A_388 = arith.constant 1.572860e+05 : f32
    %ge3A_389 = arith.cmpf oge, %reduce_sum3A_387, %ge3A_388 : f32
    %select_n3A_390 = arith.select %ge3A_389, %div3A_377, %select_n3A_373 : i32
    %select_n3A_391 = arith.select %ge3A_389, %select_n3A_374, %div3A_377 : i32
    %add3A_392 = arith.addi %select_n3A_390, %select_n3A_391 : i32
    %div3A_393 = arith.constant 2 : i32
    %div3A_394 = arith.divsi %add3A_392, %div3A_393 : i32
    %ge3A_395 = vector.broadcast %div3A_394 : i32 to vector<144x128xi32>
    %ge3A_396 = arith.cmpi sge, %shift_right_logical3A_4, %ge3A_395 : vector<144x128xi32>
    %jit3A_397 = arith.constant 0.000000e+00 : f32
    %broadcast_in_dim3A_398 = vector.broadcast %jit3A_397 : f32 to vector<144x128xf32>
    %select_n3A_399 = arith.select %ge3A_396, %reduce_sum3A_277, %broadcast_in_dim3A_398 : vector<144x128xi1>, vector<144x128xf32>
    %reduce_sum3A_400 = vector.shape_cast %select_n3A_399 : vector<144x128xf32> to vector<1x144x128xf32>
    %reduce_sum3A_401 = arith.constant dense<0.000000e+00> : vector<1xf32>
    %reduce_sum3A_402 = vector.multi_reduction <add>, %reduce_sum3A_400, %reduce_sum3A_401 [1, 2] : vector<1x144x128xf32> to vector<1xf32>
    %reduce_sum3A_403 = vector.shape_cast %reduce_sum3A_402 : vector<1xf32> to vector<1x1x1xf32>
    %reduce_sum3A_404 = vector.extract %reduce_sum3A_403[0, 0, 0] : f32 from vector<1x1x1xf32>
    %ge3A_405 = arith.constant 1.572860e+05 : f32
    %ge3A_406 = arith.cmpf oge, %reduce_sum3A_404, %ge3A_405 : f32
    %select_n3A_407 = arith.select %ge3A_406, %div3A_394, %select_n3A_390 : i32
    %select_n3A_408 = arith.select %ge3A_406, %select_n3A_391, %div3A_394 : i32
    %add3A_409 = arith.addi %select_n3A_407, %select_n3A_408 : i32
    %div3A_410 = arith.constant 2 : i32
    %div3A_411 = arith.divsi %add3A_409, %div3A_410 : i32
    %ge3A_412 = vector.broadcast %div3A_411 : i32 to vector<144x128xi32>
    %ge3A_413 = arith.cmpi sge, %shift_right_logical3A_4, %ge3A_412 : vector<144x128xi32>
    %jit3A_414 = arith.constant 0.000000e+00 : f32
    %broadcast_in_dim3A_415 = vector.broadcast %jit3A_414 : f32 to vector<144x128xf32>
    %select_n3A_416 = arith.select %ge3A_413, %reduce_sum3A_277, %broadcast_in_dim3A_415 : vector<144x128xi1>, vector<144x128xf32>
    %reduce_sum3A_417 = vector.shape_cast %select_n3A_416 : vector<144x128xf32> to vector<1x144x128xf32>
    %reduce_sum3A_418 = arith.constant dense<0.000000e+00> : vector<1xf32>
    %reduce_sum3A_419 = vector.multi_reduction <add>, %reduce_sum3A_417, %reduce_sum3A_418 [1, 2] : vector<1x144x128xf32> to vector<1xf32>
    %reduce_sum3A_420 = vector.shape_cast %reduce_sum3A_419 : vector<1xf32> to vector<1x1x1xf32>
    %reduce_sum3A_421 = vector.extract %reduce_sum3A_420[0, 0, 0] : f32 from vector<1x1x1xf32>
    %ge3A_422 = arith.constant 1.572860e+05 : f32
    %ge3A_423 = arith.cmpf oge, %reduce_sum3A_421, %ge3A_422 : f32
    %select_n3A_424 = arith.select %ge3A_423, %div3A_411, %select_n3A_407 : i32
    %select_n3A_425 = arith.select %ge3A_423, %select_n3A_408, %div3A_411 : i32
    %add3A_426 = arith.addi %select_n3A_424, %select_n3A_425 : i32
    %div3A_427 = arith.constant 2 : i32
    %div3A_428 = arith.divsi %add3A_426, %div3A_427 : i32
    %ge3A_429 = vector.broadcast %div3A_428 : i32 to vector<144x128xi32>
    %ge3A_430 = arith.cmpi sge, %shift_right_logical3A_4, %ge3A_429 : vector<144x128xi32>
    %jit3A_431 = arith.constant 0.000000e+00 : f32
    %broadcast_in_dim3A_432 = vector.broadcast %jit3A_431 : f32 to vector<144x128xf32>
    %select_n3A_433 = arith.select %ge3A_430, %reduce_sum3A_277, %broadcast_in_dim3A_432 : vector<144x128xi1>, vector<144x128xf32>
    %reduce_sum3A_434 = vector.shape_cast %select_n3A_433 : vector<144x128xf32> to vector<1x144x128xf32>
    %reduce_sum3A_435 = arith.constant dense<0.000000e+00> : vector<1xf32>
    %reduce_sum3A_436 = vector.multi_reduction <add>, %reduce_sum3A_434, %reduce_sum3A_435 [1, 2] : vector<1x144x128xf32> to vector<1xf32>
    %reduce_sum3A_437 = vector.shape_cast %reduce_sum3A_436 : vector<1xf32> to vector<1x1x1xf32>
    %reduce_sum3A_438 = vector.extract %reduce_sum3A_437[0, 0, 0] : f32 from vector<1x1x1xf32>
    %ge3A_439 = arith.constant 1.572860e+05 : f32
    %ge3A_440 = arith.cmpf oge, %reduce_sum3A_438, %ge3A_439 : f32
    %select_n3A_441 = arith.select %ge3A_440, %div3A_428, %select_n3A_424 : i32
    %select_n3A_442 = arith.select %ge3A_440, %select_n3A_425, %div3A_428 : i32
    %add3A_443 = arith.addi %select_n3A_441, %select_n3A_442 : i32
    %div3A_444 = arith.constant 2 : i32
    %div3A_445 = arith.divsi %add3A_443, %div3A_444 : i32
    %ge3A_446 = vector.broadcast %div3A_445 : i32 to vector<144x128xi32>
    %ge3A_447 = arith.cmpi sge, %shift_right_logical3A_4, %ge3A_446 : vector<144x128xi32>
    %jit3A_448 = arith.constant 0.000000e+00 : f32
    %broadcast_in_dim3A_449 = vector.broadcast %jit3A_448 : f32 to vector<144x128xf32>
    %select_n3A_450 = arith.select %ge3A_447, %reduce_sum3A_277, %broadcast_in_dim3A_449 : vector<144x128xi1>, vector<144x128xf32>
    %reduce_sum3A_451 = vector.shape_cast %select_n3A_450 : vector<144x128xf32> to vector<1x144x128xf32>
    %reduce_sum3A_452 = arith.constant dense<0.000000e+00> : vector<1xf32>
    %reduce_sum3A_453 = vector.multi_reduction <add>, %reduce_sum3A_451, %reduce_sum3A_452 [1, 2] : vector<1x144x128xf32> to vector<1xf32>
    %reduce_sum3A_454 = vector.shape_cast %reduce_sum3A_453 : vector<1xf32> to vector<1x1x1xf32>
    %reduce_sum3A_455 = vector.extract %reduce_sum3A_454[0, 0, 0] : f32 from vector<1x1x1xf32>
    %ge3A_456 = arith.constant 1.572860e+05 : f32
    %ge3A_457 = arith.cmpf oge, %reduce_sum3A_455, %ge3A_456 : f32
    %select_n3A_458 = arith.select %ge3A_457, %div3A_445, %select_n3A_441 : i32
    %select_n3A_459 = arith.select %ge3A_457, %select_n3A_442, %div3A_445 : i32
    %add3A_460 = arith.addi %select_n3A_458, %select_n3A_459 : i32
    %div3A_461 = arith.constant 2 : i32
    %div3A_462 = arith.divsi %add3A_460, %div3A_461 : i32
    %ge3A_463 = vector.broadcast %div3A_462 : i32 to vector<144x128xi32>
    %ge3A_464 = arith.cmpi sge, %shift_right_logical3A_4, %ge3A_463 : vector<144x128xi32>
    %jit3A_465 = arith.constant 0.000000e+00 : f32
    %broadcast_in_dim3A_466 = vector.broadcast %jit3A_465 : f32 to vector<144x128xf32>
    %select_n3A_467 = arith.select %ge3A_464, %reduce_sum3A_277, %broadcast_in_dim3A_466 : vector<144x128xi1>, vector<144x128xf32>
    %reduce_sum3A_468 = vector.shape_cast %select_n3A_467 : vector<144x128xf32> to vector<1x144x128xf32>
    %reduce_sum3A_469 = arith.constant dense<0.000000e+00> : vector<1xf32>
    %reduce_sum3A_470 = vector.multi_reduction <add>, %reduce_sum3A_468, %reduce_sum3A_469 [1, 2] : vector<1x144x128xf32> to vector<1xf32>
    %reduce_sum3A_471 = vector.shape_cast %reduce_sum3A_470 : vector<1xf32> to vector<1x1x1xf32>
    %reduce_sum3A_472 = vector.extract %reduce_sum3A_471[0, 0, 0] : f32 from vector<1x1x1xf32>
    %ge3A_473 = arith.constant 1.572860e+05 : f32
    %ge3A_474 = arith.cmpf oge, %reduce_sum3A_472, %ge3A_473 : f32
    %select_n3A_475 = arith.select %ge3A_474, %div3A_462, %select_n3A_458 : i32
    %ge3A_476 = vector.broadcast %select_n3A_475 : i32 to vector<144x128xi32>
    %ge3A_477 = arith.cmpi sge, %shift_right_logical3A_4, %ge3A_476 : vector<144x128xi32>
    %add3A_478 = arith.constant 1 : i32
    %add3A_479 = arith.addi %select_n3A_475, %add3A_478 : i32
    %ge3A_480 = vector.broadcast %add3A_479 : i32 to vector<144x128xi32>
    %ge3A_481 = arith.cmpi sge, %shift_right_logical3A_4, %ge3A_480 : vector<144x128xi32>
    %jit3A_482 = arith.constant 0.000000e+00 : f32
    %broadcast_in_dim3A_483 = vector.broadcast %jit3A_482 : f32 to vector<144x128xf32>
    %select_n3A_484 = arith.select %ge3A_477, %reduce_sum3A_285, %broadcast_in_dim3A_483 : vector<144x128xi1>, vector<144x128xf32>
    %reduce_sum3A_485 = vector.shape_cast %select_n3A_484 : vector<144x128xf32> to vector<1x144x128xf32>
    %reduce_sum3A_486 = arith.constant dense<0.000000e+00> : vector<1xf32>
    %reduce_sum3A_487 = vector.multi_reduction <add>, %reduce_sum3A_485, %reduce_sum3A_486 [1, 2] : vector<1x144x128xf32> to vector<1xf32>
    %reduce_sum3A_488 = vector.shape_cast %reduce_sum3A_487 : vector<1xf32> to vector<1x1x1xf32>
    %reduce_sum3A_489 = vector.extract %reduce_sum3A_488[0, 0, 0] : f32 from vector<1x1x1xf32>
    %jit3A_490 = arith.constant 0.000000e+00 : f32
    %broadcast_in_dim3A_491 = vector.broadcast %jit3A_490 : f32 to vector<144x128xf32>
    %select_n3A_492 = arith.select %ge3A_477, %reduce_sum3A_277, %broadcast_in_dim3A_491 : vector<144x128xi1>, vector<144x128xf32>
    %reduce_sum3A_493 = vector.shape_cast %select_n3A_492 : vector<144x128xf32> to vector<1x144x128xf32>
    %reduce_sum3A_494 = arith.constant dense<0.000000e+00> : vector<1xf32>
    %reduce_sum3A_495 = vector.multi_reduction <add>, %reduce_sum3A_493, %reduce_sum3A_494 [1, 2] : vector<1x144x128xf32> to vector<1xf32>
    %reduce_sum3A_496 = vector.shape_cast %reduce_sum3A_495 : vector<1xf32> to vector<1x1x1xf32>
    %reduce_sum3A_497 = vector.extract %reduce_sum3A_496[0, 0, 0] : f32 from vector<1x1x1xf32>
    %jit3A_498 = arith.constant 0.000000e+00 : f32
    %broadcast_in_dim3A_499 = vector.broadcast %jit3A_498 : f32 to vector<144x128xf32>
    %select_n3A_500 = arith.select %ge3A_481, %reduce_sum3A_277, %broadcast_in_dim3A_499 : vector<144x128xi1>, vector<144x128xf32>
    %reduce_sum3A_501 = vector.shape_cast %select_n3A_500 : vector<144x128xf32> to vector<1x144x128xf32>
    %reduce_sum3A_502 = arith.constant dense<0.000000e+00> : vector<1xf32>
    %reduce_sum3A_503 = vector.multi_reduction <add>, %reduce_sum3A_501, %reduce_sum3A_502 [1, 2] : vector<1x144x128xf32> to vector<1xf32>
    %reduce_sum3A_504 = vector.shape_cast %reduce_sum3A_503 : vector<1xf32> to vector<1x1x1xf32>
    %reduce_sum3A_505 = vector.extract %reduce_sum3A_504[0, 0, 0] : f32 from vector<1x1x1xf32>
    %add3A_506 = arith.constant 7488 : i32
    %add3A_507 = arith.addi %select_n3A_475, %add3A_506 : i32
    %shift_left3A_508 = arith.constant 17 : i32
    %shift_left3A_509 = arith.shli %add3A_507, %shift_left3A_508 : i32
    %broadcast_in_dim3A_510 = vector.broadcast %shift_left3A_509 : i32 to vector<8x128xi32>
    %add3A_511 = arith.constant 1 : i32
    %add3A_512 = arith.addi %select_n3A_475, %add3A_511 : i32
    %add3A_513 = arith.constant 7488 : i32
    %add3A_514 = arith.addi %add3A_512, %add3A_513 : i32
    %shift_left3A_515 = arith.constant 17 : i32
    %shift_left3A_516 = arith.shli %add3A_514, %shift_left3A_515 : i32
    %broadcast_in_dim3A_517 = vector.broadcast %shift_left3A_516 : i32 to vector<8x128xi32>
    %bitcast_convert_type3A_518 = tpu.bitcast %broadcast_in_dim3A_510 : vector<8x128xi32> -> vector<8x128xf32>
    %reduce_max3A_519 = vector.shape_cast %bitcast_convert_type3A_518 : vector<8x128xf32> to vector<1x8x128xf32>
    %reduce_max3A_520 = arith.constant dense<0xFF800000> : vector<1xf32>
    %reduce_max3A_521 = vector.multi_reduction <maximumf>, %reduce_max3A_519, %reduce_max3A_520 [1, 2] : vector<1x8x128xf32> to vector<1xf32>
    %reduce_max3A_522 = vector.shape_cast %reduce_max3A_521 : vector<1xf32> to vector<1x1x1xf32>
    %reduce_max3A_523 = vector.extract %reduce_max3A_522[0, 0, 0] : f32 from vector<1x1x1xf32>
    %bitcast_convert_type3A_524 = tpu.bitcast %broadcast_in_dim3A_517 : vector<8x128xi32> -> vector<8x128xf32>
    %reduce_max3A_525 = vector.shape_cast %bitcast_convert_type3A_524 : vector<8x128xf32> to vector<1x8x128xf32>
    %reduce_max3A_526 = arith.constant dense<0xFF800000> : vector<1xf32>
    %reduce_max3A_527 = vector.multi_reduction <maximumf>, %reduce_max3A_525, %reduce_max3A_526 [1, 2] : vector<1x8x128xf32> to vector<1xf32>
    %reduce_max3A_528 = vector.shape_cast %reduce_max3A_527 : vector<1xf32> to vector<1x1x1xf32>
    %reduce_max3A_529 = vector.extract %reduce_max3A_528[0, 0, 0] : f32 from vector<1x1x1xf32>
    %sub3A_530 = arith.subf %reduce_sum3A_497, %reduce_sum3A_505 : f32
    %max3A_531 = arith.constant 1.000000e+00 : f32
    %max3A_532 = arith.maximumf %sub3A_530, %max3A_531 : f32
    %sub3A_533 = arith.constant 1.572860e+05 : f32
    %sub3A_534 = arith.subf %reduce_sum3A_497, %sub3A_533 : f32
    %max3A_535 = arith.constant 0.000000e+00 : f32
    %max3A_536 = arith.maximumf %sub3A_534, %max3A_535 : f32
    %sub3A_537 = arith.subf %reduce_max3A_529, %reduce_max3A_523 : f32
    %mul3A_538 = arith.mulf %sub3A_537, %max3A_536 : f32
    %mul3A_539 = arith.constant 2.000000e+00 : f32
    %mul3A_540 = arith.mulf %mul3A_539, %max3A_532 : f32
    %div3A_541 = arith.divf %mul3A_538, %mul3A_540 : f32
    %add3A_542 = arith.addf %reduce_max3A_523, %div3A_541 : f32
    %mul3A_543 = arith.mulf %max3A_536, %add3A_542 : f32
    %sub3A_544 = arith.subf %reduce_sum3A_489, %mul3A_543 : f32
    %add3A_545 = arith.addf %add3A_269, %sub3A_544 : f32
    %mul3A_546 = arith.constant 6.357845E-6 : f32
    %mul3A_547 = arith.mulf %add3A_545, %mul3A_546 : f32
    %swap3A = arith.constant 0 : index
    %swap3A_548 = arith.constant 0 : index
    %swap3A_549 = memref.load %arg3[%swap3A, %swap3A_548] : memref<1x1xf32, #tpu.memory_space<smem>>
    memref.store %mul3A_547, %arg3[%swap3A, %swap3A_548] : memref<1x1xf32, #tpu.memory_space<smem>>
    return
  }
  func.func @transform_0(%arg0: i32) -> (i32, i32, i32, i32) {
    %c0_i32 = arith.constant 0 : i32
    %c0_i32_0 = arith.constant 0 : i32
    %c0_i32_1 = arith.constant 0 : i32
    %c0_i32_2 = arith.constant 0 : i32
    %c0_i32_3 = arith.constant 0 : i32
    return %c0_i32, %c0_i32_0, %c0_i32_1, %c0_i32_2 : i32, i32, i32, i32
  }
  func.func @transform_1(%arg0: i32) -> (i32, i32, i32, i32) {
    %c0_i32 = arith.constant 0 : i32
    %c0_i32_0 = arith.constant 0 : i32
    %c0_i32_1 = arith.constant 0 : i32
    %c0_i32_2 = arith.constant 0 : i32
    %c0_i32_3 = arith.constant 0 : i32
    return %c0_i32, %c0_i32_0, %c0_i32_1, %c0_i32_2 : i32, i32, i32, i32
  }
  func.func @transform_2(%arg0: i32) -> (i32, i32) {
    %c0_i32 = arith.constant 0 : i32
    %c0_i32_0 = arith.constant 0 : i32
    %c0_i32_1 = arith.constant 0 : i32
    return %c0_i32, %c0_i32_0 : i32, i32
  }
}

</mosaic_0001>

<sc_bundles>
// kernel: kernel.10.cloned.1.call-start
scs
__scs_entry_jumppad:
0x0: {  	(pc) =	sbr.rel $0x88, $3  }
0x1: {  	(tag) =	ssettag $0x0;
	lr =	simm.s32 $0x1  }
0x2: {  	[smem:$0x3F9D] =	sst lr;
	_ =	strace $0xD0000000  }
0x3: {  	_ = 	snop  }
0x4: {  	_ = 	snop  }
0x5: {  	_ = 	snop  }
0x6: {  	_ = 	snop  }
0x7: {  	_ = 	snop  }
__scs_overlays_trampoline_lowered:
0x8: {  	[smem:$0x3FAC] =	sst s0  }
0x9: {  	[smem:$0x3FAD] =	sst s1  }
0xa: {  	[smem:$0x3FAE] =	sst s2  }
0xb: {  	[smem:$0x3FAF] =	sst s3  }
0xc: {  	[smem:$0x3FB0] =	sst s4  }
0xd: {  	[smem:$0x3FB1] =	sst s5  }
0xe: {  	[smem:$0x3FB2] =	sst s6  }
0xf: {  	[smem:$0x3FB3] =	sst s7  }
0x10: {  	[smem:$0x3FB4] =	sst s8  }
0x11: {  	[smem:$0x3FB5] =	sst s9;
	s0 =	simm.s32 @!p0 $0x0  }
0x12: {  	s1 =	sld [smem:$0x3F9B];
	s0 =	simm.s32 @p0 $0x1  }
0x13: {  	[smem:$0x3FB6] =	sst s0;
	s0 =	simm.s32 @!p1 $0x0  }
0x14: {  	s2 =	sld [smem:$0x3F9A];
	s0 =	simm.s32 @p1 $0x1  }
0x15: {  	[smem:$0x3FB7] =	sst s0;
	s0 =	simm.s32 @!p2 $0x0  }
0x16: {  	s3 =	sld [smem:$0x3FDB];
	s0 =	simm.s32 @p2 $0x1  }
0x17: {  	s4 =	simm.s32 $0x1BF5;
	[smem:$0x3FB9] =	sst s0  }
0x18: {  	s0 =	sld [smem:$0x3F9C];
	_ =	swait.ge [sflag:s4], $0x0  }
0x19: {  	s7 =	sld [smem:$0x3F9D]  }
0x1a: {  	s8 =	sadd.s32 $0xFFFFE003, lr  }
0x1b: {  	s9 =	sadd.s32 $0xFFFFFEF7, lr;
	s5 =	simm.s32 $0xFFFFFFFF;
	p2 =	slt.u32 s8, $0xFFFFF086  }
0x1c: {  	p1 =	slt.u32 s9, $0xF7A;
	s5 =	simm.s32 @!p2 $0x0  }
0x1d: {  	s5 =	simm.s32 @p1 $0x1;
	p0 =	seq.s32 s7, s2  }
0x1e: {  	s7 =	smul.u32 @!p0 $0xF7A, s2;
	p2 =	seq.s32 @!p0 s5, $0x0  }
0x1f: {  	s9 =	smul.u32 $0xF7A, s1;
	s8 =	simm.s32 @!p0 $0x1BF5;
	p2 =	por !p2, p0  }
0x20: {  	[sflag:s8] =	ssyncset.s32 @!p0 $0xFFFFF086;
	s6 =	sadd.s32 @!p0 s3, s7;
	s7 =	simm.s32 @!p0 $0x108  }
0x21: {  	s3 =	sadd.s32 s3, s9;
	s6 =	sadd.s32 @!p0 $0x88, s6;
	s7 =	simm.s32 @p2 $0x1082  }
0x22: {  	[simem:s7], [sflag:s8] =	dma.local @!p0 [hbm:s6], $0xF7A  }
0x23: {  	s9 =	sor.u32 $0xD0000000, s2;
	s6 =	simm.s32 $0x108;
	_ =	swait.ge @!p0 [sflag:s8], $0x0  }
0x24: {  	s3 =	sadd.s32 $0x88, s3;
	s6 =	simm.s32 @!p1 $0x1082;
	[sflag:s4] =	ssyncset.s32 $0xFFFFF086  }
0x25: {  	[simem:s6], [sflag:s4] =	dma.local [hbm:s3], $0xF7A  }
0x26: {  	[smem:$0x3F9D] =	sst s1;
	(tag) =	ssettag s2;
	_ =	strace s9  }
0x27: {  	s1 =	sld [smem:$0x3FAD]  }
0x28: {  	s2 =	sld [smem:$0x3FAE]  }
0x29: {  	s4 =	sld [smem:$0x3FB0]  }
0x2a: {  	p0 =	seq.s32 s5, $0x0;
	s5 =	sld [smem:$0x3FB1]  }
0x2b: {  	s6 =	sld [smem:$0x3FB2]  }
0x2c: {  	s7 =	sld [smem:$0x3FB3]  }
0x2d: {  	s3 =	simm.s32 $0x108;
	s8 =	sld [smem:$0x3FB4]  }
0x2e: {  	s3 =	simm.s32 @!p0 $0x1082;
	s9 =	sld [smem:$0x3FB5]  }
0x2f: {  	lr =	sadd.s32 s0, s3;
	s0 =	sld [smem:$0x3FAC]  }
0x30: {  	s3 =	sld [smem:$0x3FAF]  }
0x31: {  	[smem:$0x3FB8] =	sst s10  }
0x32: {  	s10 =	sld [smem:$0x3FB6];
	_ =	sdelay $0x3  }
0x33: {  	p0 =	seq.s32 s10, $0x1;
	s10 =	sld [smem:$0x3FB8];
	_ =	sdelay $0x3  }
0x34: {  	[smem:$0x3FB8] =	sst s10  }
0x35: {  	s10 =	sld [smem:$0x3FB7];
	_ =	sdelay $0x3  }
0x36: {  	p1 =	seq.s32 s10, $0x1;
	s10 =	sld [smem:$0x3FB8];
	_ =	sdelay $0x3  }
0x37: {  	[smem:$0x3FB8] =	sst s10  }
0x38: {  	s10 =	sld [smem:$0x3FB9]  }
0x39: {  	_ = 	snop;
	(pc) =	sbr.ind lr, $3  }
0x3a: {  	_ = 	snop  }
0x3b: {  	_ = 	snop  }
0x3c: {  	p2 =	seq.s32 s10, $0x1;
	s10 =	sld [smem:$0x3FB8]  }
0x3d: {  	_ =	shalt  }
0x3e: {  	_ =	shalt  }
0x3f: {  	_ =	shalt  }
0x40: {  	_ =	shalt  }
0x41: {  	_ =	shalt  }
0x42: {  	_ =	shalt  }
0x43: {  	_ =	shalt  }
0x44: {  	_ =	shalt  }
0x45: {  	_ =	shalt  }
0x46: {  	_ =	shalt  }
0x47: {  	_ =	shalt  }
0x48: {  	_ =	shalt  }
0x49: {  	_ =	shalt  }
0x4a: {  	_ =	shalt  }
0x4b: {  	_ =	shalt  }
0x4c: {  	_ =	shalt  }
0x4d: {  	_ =	shalt  }
0x4e: {  	_ =	shalt  }
0x4f: {  	_ =	shalt  }
0x50: {  	_ =	shalt  }
0x51: {  	_ =	shalt  }
0x52: {  	_ =	shalt  }
0x53: {  	_ =	shalt  }
0x54: {  	_ =	shalt  }
0x55: {  	_ =	shalt  }
0x56: {  	_ =	shalt  }
0x57: {  	_ =	shalt  }
0x58: {  	_ =	shalt  }
0x59: {  	_ =	shalt  }
0x5a: {  	_ =	shalt  }
0x5b: {  	_ =	shalt  }
0x5c: {  	_ =	shalt  }
0x5d: {  	_ =	shalt  }
0x5e: {  	_ =	shalt  }
0x5f: {  	_ =	shalt  }
0x60: {  	_ =	shalt  }
0x61: {  	_ =	shalt  }
0x62: {  	_ =	shalt  }
0x63: {  	_ =	shalt  }
0x64: {  	_ =	shalt  }
0x65: {  	_ =	shalt  }
0x66: {  	_ =	shalt  }
0x67: {  	_ =	shalt  }
0x68: {  	_ =	shalt  }
0x69: {  	_ =	shalt  }
0x6a: {  	_ =	shalt  }
0x6b: {  	_ =	shalt  }
0x6c: {  	_ =	shalt  }
0x6d: {  	_ =	shalt  }
0x6e: {  	_ =	shalt  }
0x6f: {  	_ =	shalt  }
0x70: {  	_ =	shalt  }
0x71: {  	_ =	shalt  }
0x72: {  	_ =	shalt  }
0x73: {  	_ =	shalt  }
0x74: {  	_ =	shalt  }
0x75: {  	_ =	shalt  }
0x76: {  	_ =	shalt  }
0x77: {  	_ =	shalt  }
0x78: {  	_ =	shalt  }
0x79: {  	_ =	shalt  }
0x7a: {  	_ =	shalt  }
0x7b: {  	_ =	shalt  }
0x7c: {  	_ =	shalt  }
0x7d: {  	_ =	shalt  }
0x7e: {  	_ =	shalt  }
0x7f: {  	_ =	shalt  }
0x80: {  	_ =	shalt  }
0x81: {  	_ =	shalt  }
0x82: {  	_ =	shalt  }
0x83: {  	_ =	shalt  }
0x84: {  	_ =	shalt  }
0x85: {  	_ =	shalt  }
0x86: {  	_ =	shalt  }
0x87: {  	_ =	shalt  }
.Lfunc_end0:
.L_simem_size_0:
called_computation.1_lowered:
.L_overlay_start_0:
0x88: {  	s2 =	sld [smem:$0x3FD9]  }
0x89: {  	s3 =	sld [smem:$0x3FFE];
	_ =	sdelay $0x1  }
0x8a: {  	s1 =	srdreg.scid  }
0x8b: {  	s0 =	sand.u32 $0x1, s1  }
0x8c: {  	s16 =	sshll.u32 s0, $0xA;
	s2 =	sadd.s32 s3, s2  }
0x8d: {  	s2 =	sadd.s32 s2, s16  }
0x8e: {  	[smem:$0x3FC4] =	sst s2  }
0x8f: {  	_ = 	snop  }
0x90: {  	(tm) =	ssettm $0x1  }
0x91: {  	s17 =	sld [smem:$0x3FFB];
	_ =	sdelay $0x3  }
0x92: {  	_ =	strace s17  }
0x93: {  	s2 =	sld [smem:$0x3FFC];
	_ =	sdelay $0x3  }
0x94: {  	_ =	strace s2  }
0x95: {  	s2 =	sld [smem:$0x3FFD];
	_ =	sdelay $0x3  }
0x96: {  	_ =	strace s2  }
0x97: {  	_ =	strace $0x8FFFFFFF  }
0x98: {  	s18 =	sld [smem:$0x3FDB];
	_ =	sdelay $0x1  }
0x99: {  	s19 =	simm.s32 $_scs_section_size  }
0x9a: {  	s4 =	simm.s32 $_size__tile_overlayer_lowered;
	s5 =	simm.s32 $_tile_overlayer_lowered  }
0x9b: {  	s22 =	simm.s32 $0x1BFF;
	s21 =	sshll.u32 s5, $0x1;
	s2 =	sadd.s32 s19, s18  }
0x9c: {  	s6 =	simm.s32 $0x0;
	s20 =	sshll.u32 s4, $0x1;
	s4 =	sadd.s32 s21, s2  }
0x9d: {  	[timem:s6], [sflag:s22] =	dma.local [hbm:s4], s20  }
0x9e: {  	_ =	swait.ge [sflag:s22], s20  }
0x9f: {  	s3 =	ssub.s32 $0x0, s20;
	[sflag:s22] =	ssyncset.done $0x0  }
0xa0: {  	[sflag:s22] =	ssyncadd.s32 s3;
	_ =	sdelay $0x1  }
0xa1: {  	s23 =	simm.s32 $0x1B8B  }
0xa2: {  	_ =	swait.ge [sflag:s23], $0x1  }
0xa3: {  	[sflag:s23] =	ssyncset.done $0x0  }
0xa4: {  	s25 =	simm.s32 $0x1B8E;
	s24 =	sld [smem:$0x3FFE];
	[sflag:s23] =	ssyncadd.s32 $0xFFFFFFFF  }
0xa5: {  	s26 =	simm.s32 $execute0_lowered;
	[smem:$0x3FD2] =	sst s25  }
0xa6: {  	s4 =	sshll.u32 s26, $0x1;
	_ =	strace $0x80000046;
	[dreg:$0x1] =	wrdreg $0xFFFFFFFF  }
0xa7: {  	s28 =	simm.s32 $_size_execute0_lowered;
	s2 =	sadd.s32 s2, s4;
	[dreg:$0x0] =	wrdreg $0x0  }
0xa8: {  	s4 =	sshll.u32 s28, $0x1;
	[dreg:$0x2] =	wrdreg s2  }
0xa9: {  	[dreg:$0x3] =	wrdreg s4  }
0xaa: {  	[dreg:$0x4] =	wrdreg $0xC0  }
0xab: {  	_ =	task [dreg:s6], $0x5FFFF  }
0xac: {  	[dreg:$0x1] =	wrdreg $0xFFFFFFFF  }
0xad: {  	[dreg:$0x0] =	wrdreg $0x60  }
0xae: {  	[dreg:$0x2] =	wrdreg s24  }
0xaf: {  	[dreg:$0x3] =	wrdreg $0xA  }
0xb0: {  	_ =	task.clear_ibuf [dreg:s6], $0x4FFFF;
	_ =	strace $0x90000046  }
0xb1: {  	s29 =	simm.s32 $0xA;
	_ =	strace $0x80000048  }
0xb2: {  	_ =	swait.ge [sflag:s29], $0x1  }
0xb3: {  	[sflag:s29] =	ssyncadd.s32 $0xFFFFFFFF  }
0xb4: {  	_ =	strace $0x90000048  }
0xb5: {  	_ =	sfence  }
0xb6: {  	s30 =	sld [smem:$0x0];
	_ =	sdelay $0x2  }
0xb7: {  	s31 =	sshll.u32 s1, $0xD;
	s1 =	sshrl.u32 s1, $0x2  }
0xb8: {  	s3 =	sand.u32 $0x4000, s31;
	s1 =	sadd.s32 s1, s30  }
0xb9: {  	s0 =	sor.u32 s3, s0;
	s1 =	sshll.u32 s1, $0x11  }
0xba: {  	s0 =	sor.u32 s1, s0  }
0xbb: {  	s0 =	sadd.s32 $0x8F2B, s0  }
0xbc: {  	[sflag:s0] =	ssyncadd.remote.s32 $0x1  }
0xbd: {  	_ =	sfence.sel $0xFFFF  }
0xbe: {  	[dreg:$0x0] =	wrdreg $0xFFFFFFFF;
	(pc) =	sbr.abs _section_cstart, $3  }
0xbf: {  	[dreg:$0x1] =	wrdreg $0xFFFFFFFF  }
0xc0: {  	_ =	task.clear_ibuf [dreg:s6], $0x2FFFF;
	_ =	strace $0x9FFFFFFF  }
0xc1: {  	(tm) =	ssettm $0x7FFFFFFF  }
tec
execute0_lowered:
.L_overlay_start_1:
0x0: {  	(tag) =	ssettag $0x1  }
0x1: {  	s1 =	srdreg.scid  }
0x2: {  	s0 =	stileid.u32;
	s3 =	rddreg [dreg:$0x0];
	s2 =	simm.s32 $0x0  }
0x3: {  	s8 =	simm.s32 $0x8000;
	s9 =	simm.s32 $0xC800;
	s10 =	simm.s32 $0x80  }
0x4: {  	s11 =	simm.s32 $0x100;
	s4 =	sand.u32 $0x1, s1;
	s5 =	sshll.u32 s0, $0x1  }
0x5: {  	s12 =	simm.s32 $0x2;
	s1 =	rddreg [dreg:$0x1];
	s5 =	sor.u32 s4, s5  }
0x6: {  	s13 =	simm.s32 $0x0;
	[smem:$0x7FF] =	sst s2;
	s6 =	smul.u32 $0x1200, s5  }
0x7: {  	_ =	strace $0x80000047;
	s4 =	ssub.s32 $0x2, s4;
	s5 =	sshll.u32 s5, $0xC  }
0x8: {  	s31 =	sshrl.u32 s4, $0x1;
	s5 =	sadd.s32 s5, s3;
	s6 =	sadd.s32 s6, s3  }
0x9: {  	v1 =	vlaneseq.u32;
	s7 =	ssub.s32 s4, s31;
	s3 =	sadd.s32 $0x1200, s5;
	s4 =	sadd.s32 $0x21200, s6  }
0xa: {  	v0 =	vimm.f32 $0.0e+00;
	v2 =	vimm.f32 $1.000000000e+00;
	v1 =	vor.u32 $0xFFFE2C00, v1;
	s5 =	sadd.s32 $0x21210, s6;
	s6 =	smax.u32 s7, $0x1;
	s7 =	simm.s32 $0x1  }
.LBB2_1:
0xb: {  	[tilespmem:s2], [sflag:$0x1] =	stream.linear.gather [hbm4b:s3+s2], $0x8000, $0x38;
	[tilespmem:$0x11000] =	vst v63  }
0xc: {  	s14 =	simm.s32 $0x0;
	s15 =	simm.s32 $0x100  }
.LBB2_2:
0xd: {  	p0 =	sne.s32 s15, $0x11F00;
	[tilespmem:s14+$0xC830] =	vst v0  }
0xe: {  	[tilespmem:s14+$0x8000] =	vst v0  }
0xf: {  	[tilespmem:s14+$0xC800] =	vst v0  }
.Ltmp0:
0x10: {  	[tilespmem:s14+$0x8010] =	vst v0;
	(pc) =	sbr.rel @p0 .LBB2_2-.Ltmp0, $4  }
0x11: {  	[tilespmem:s14+$0xC810] =	vst v0  }
0x12: {  	[tilespmem:s14+$0x8020] =	vst v0  }
0x13: {  	[tilespmem:s14+$0xC820] =	vst v0  }
0x14: {  	[tilespmem:s14+$0x8030] =	vst v0;
	s14 =	sshra.s32 s15, $0x2;
	s15 =	sadd.s32 $0x100, s15  }
0x15: {  	[tilespmem:s14+$0xC830] =	vst v0  }
0x16: {  	[tilespmem:s14+$0x8000] =	vst v0  }
0x17: {  	[tilespmem:s14+$0xC800] =	vst v0  }
0x18: {  	[tilespmem:s14+$0x8010] =	vst v0  }
0x19: {  	[tilespmem:s14+$0xC810] =	vst v0  }
0x1a: {  	[tilespmem:s14+$0x8020] =	vst v0  }
0x1b: {  	[tilespmem:s14+$0xC820] =	vst v0  }
0x1c: {  	[tilespmem:s14+$0x8030] =	vst v0  }
0x1d: {  	_ =	swait.ge [sflag:s7], $0x8000  }
0x1e: {  	[sflag:s7] =	ssyncset.done $0x0  }
0x1f: {  	s14 =	simm.s32 $0x0;
	[sflag:s7] =	ssyncadd.s32 $0xFFFF8000  }
.LBB2_4:
0x20: {  	s15 =	sshra.s32 s14, $0x2  }
0x21: {  	v3 =	vld [tilespmem:s15+$0x0];
	_ =	sdelay $0x4  }
0x22: {  	v4 =	vshrl.u32 v3, $0x11  }
0x23: {  	v4 =	vmax.u32 v4, $0x1D40  }
0x24: {  	v4 =	vmin.u32 v4, $0x21BF  }
0x25: {  	v4 =	vshll.u32 v4, $0x4  }
0x26: {  	v4 =	vadd.s32 v1, v4;
	_ =	sdelay $0x4  }
0x27: {  	[tilespmem:v4+s8+$0x0] =	vst.idx.add.f32.msk $0xffff, v2  }
0x28: {  	[tilespmem:v4+s9+$0x0] =	vst.idx.add.f32.msk $0xffff, v3  }
0x29: {  	v3 =	vld [tilespmem:s15+$0x10];
	_ =	sdelay $0x4  }
0x2a: {  	v57 =	vshrl.u32 v3, $0x11  }
0x2b: {  	v4 =	vmax.u32 v57, $0x1D40  }
0x2c: {  	v4 =	vmin.u32 v4, $0x21BF  }
0x2d: {  	v4 =	vshll.u32 v4, $0x4  }
0x2e: {  	v4 =	vadd.s32 v1, v4;
	_ =	sdelay $0x4  }
0x2f: {  	[tilespmem:v4+s8+$0x0] =	vst.idx.add.f32.msk $0xffff, v2  }
0x30: {  	[tilespmem:v4+s9+$0x0] =	vst.idx.add.f32.msk $0xffff, v3  }
0x31: {  	v3 =	vld [tilespmem:s15+$0x20];
	_ =	sdelay $0x4  }
0x32: {  	v58 =	vshrl.u32 v3, $0x11  }
0x33: {  	v4 =	vmax.u32 v58, $0x1D40  }
0x34: {  	v4 =	vmin.u32 v4, $0x21BF  }
0x35: {  	v4 =	vshll.u32 v4, $0x4  }
0x36: {  	v4 =	vadd.s32 v1, v4;
	_ =	sdelay $0x4  }
0x37: {  	[tilespmem:v4+s8+$0x0] =	vst.idx.add.f32.msk $0xffff, v2  }
0x38: {  	[tilespmem:v4+s9+$0x0] =	vst.idx.add.f32.msk $0xffff, v3  }
0x39: {  	v3 =	vld [tilespmem:s15+$0x30];
	_ =	sdelay $0x4  }
0x3a: {  	v59 =	vshrl.u32 v3, $0x11  }
0x3b: {  	v4 =	vmax.u32 v59, $0x1D40  }
0x3c: {  	v4 =	vmin.u32 v4, $0x21BF  }
0x3d: {  	v4 =	vshll.u32 v4, $0x4  }
0x3e: {  	v4 =	vadd.s32 v1, v4;
	_ =	sdelay $0x4  }
0x3f: {  	[tilespmem:v4+s8+$0x0] =	vst.idx.add.f32.msk $0xffff, v2  }
0x40: {  	[tilespmem:v4+s9+$0x0] =	vst.idx.add.f32.msk $0xffff, v3  }
0x41: {  	v3 =	vld [tilespmem:s15+$0x40];
	_ =	sdelay $0x4  }
0x42: {  	v60 =	vshrl.u32 v3, $0x11  }
0x43: {  	v4 =	vmax.u32 v60, $0x1D40  }
0x44: {  	v4 =	vmin.u32 v4, $0x21BF  }
0x45: {  	v4 =	vshll.u32 v4, $0x4  }
0x46: {  	v4 =	vadd.s32 v1, v4;
	_ =	sdelay $0x4  }
0x47: {  	[tilespmem:v4+s8+$0x0] =	vst.idx.add.f32.msk $0xffff, v2  }
0x48: {  	[tilespmem:v4+s9+$0x0] =	vst.idx.add.f32.msk $0xffff, v3  }
0x49: {  	v3 =	vld [tilespmem:s15+$0x50];
	_ =	sdelay $0x4  }
0x4a: {  	v61 =	vshrl.u32 v3, $0x11  }
0x4b: {  	v4 =	vmax.u32 v61, $0x1D40  }
0x4c: {  	v4 =	vmin.u32 v4, $0x21BF  }
0x4d: {  	v4 =	vshll.u32 v4, $0x4  }
0x4e: {  	v4 =	vadd.s32 v1, v4;
	_ =	sdelay $0x4  }
0x4f: {  	[tilespmem:v4+s8+$0x0] =	vst.idx.add.f32.msk $0xffff, v2  }
0x50: {  	[tilespmem:v4+s9+$0x0] =	vst.idx.add.f32.msk $0xffff, v3  }
0x51: {  	v3 =	vld [tilespmem:s15+$0x60];
	_ =	sdelay $0x4  }
0x52: {  	v62 =	vshrl.u32 v3, $0x11  }
0x53: {  	v4 =	vmax.u32 v62, $0x1D40  }
0x54: {  	v4 =	vmin.u32 v4, $0x21BF  }
0x55: {  	v4 =	vshll.u32 v4, $0x4  }
0x56: {  	v4 =	vadd.s32 v1, v4;
	_ =	sdelay $0x4  }
0x57: {  	[tilespmem:v4+s8+$0x0] =	vst.idx.add.f32.msk $0xffff, v2  }
0x58: {  	[tilespmem:v4+s9+$0x0] =	vst.idx.add.f32.msk $0xffff, v3  }
0x59: {  	v3 =	vld [tilespmem:s15+$0x70];
	_ =	sdelay $0x4  }
0x5a: {  	v63 =	vshrl.u32 v3, $0x11  }
0x5b: {  	v4 =	vmax.u32 v63, $0x1D40  }
0x5c: {  	v4 =	vmin.u32 v4, $0x21BF  }
0x5d: {  	v4 =	vshll.u32 v4, $0x4  }
0x5e: {  	v4 =	vadd.s32 v1, v4  }
0x5f: {  	p0 =	sne.s32 s14, $0x1FE00  }
.Ltmp1:
0x60: {  	_ = 	snop;
	(pc) =	sbr.rel @p0 .LBB2_4-.Ltmp1, $3  }
0x61: {  	_ =	sdelay $0x1  }
0x62: {  	[tilespmem:v4+s8+$0x0] =	vst.idx.add.f32.msk $0xffff, v2  }
0x63: {  	s14 =	sadd.s32 $0x200, s14;
	[tilespmem:v4+s9+$0x0] =	vst.idx.add.f32.msk $0xffff, v3  }
0x64: {  	[hbm4b:s4+s10] =	stream.strided.scatter [tilespmem:s8], [sflag:$0x2], $0x4800, s11, s10, $0x38;
	[tilespmem:$0x11000] =	vst v63  }
0x65: {  	s13 =	sadd.s32 $0x1, s13;
	_ =	swait.ge [sflag:s12], $0x4800  }
0x66: {  	p0 =	sne.s32 s13, s6;
	[sflag:s12] =	ssyncset.done $0x0  }
.Ltmp2:
0x67: {  	[sflag:s12] =	ssyncadd.s32 $0xFFFFB800;
	(pc) =	sbr.rel @p0 .LBB2_1-.Ltmp2, $4  }
0x68: {  	[hbm4b:s5+s10] =	stream.strided.scatter [tilespmem:s9], [sflag:$0x2], $0x4800, s11, s10, $0x38;
	[tilespmem:$0x11000] =	vst v63  }
0x69: {  	_ =	swait.ge [sflag:s12], $0x4800  }
0x6a: {  	[sflag:s12] =	ssyncset.done $0x0  }
0x6b: {  	[sflag:s12] =	ssyncadd.s32 $0xFFFFB800  }
0x6c: {  	_ =	sfence.sel $0x180000  }
0x6d: {  	[bflag:$0x0] =	sbarrier.arrive $0xFFFF  }
0x6e: {  	p0 =	sne.s32 s0, $0x0;
	_ =	strace $0x90000047  }
0x6f: {  	s0 =	sadd.s32 @!p0 $0x100000, s1;
	[bflag:$0x2] =	sbarrier.arrive $0xFFFF  }
0x70: {  	[sflag:s0] =	ssyncadd.tile.s32 @!p0 $0x1;
	_ =	shalt  }
.Lfunc_end2:
_tile_overlayer_lowered:
.L_overlay_start_2:
0x71: {  	(tag) =	ssettag $0x2  }
0x72: {  	s0 =	rddreg [dreg:$0x0];
	s2 =	stileid.u32  }
0x73: {  	s1 =	rddreg [dreg:$0x1];
	p0 =	sne.s32 s2, $0x0  }
0x74: {  	s3 =	rddreg [dreg:$0x2];
	[bflag:$0x3] =	sbarrier.arrive $0xFFFF;
	s2 =	simm.s32 @!p0 $0x1C02  }
0x75: {  	[timem:s3], [sflag:s2] =	dma.local @!p0 [hbm:s0], s1  }
0x76: {  	s0 =	simm.s32 @!p0 $0x2  }
0x77: {  	_ =	swait.ge @!p0 [sflag:s0], s1  }
0x78: {  	s1 =	ssub.s32 @!p0 $0x0, s1;
	[sflag:s0] =	ssyncset.done @!p0 $0x0  }
0x79: {  	[sflag:s0] =	ssyncadd.s32 @!p0 s1  }
0x7a: {  	[bflag:$0x3] =	sbarrier.arrive $0xFFFF  }
0x7b: {  	_ =	shalt  }

// kernel: kernel.7.cloned.1.call-start
scs
__scs_entry_jumppad:
0x0: {  	(pc) =	sbr.rel $0x88, $3  }
0x1: {  	(tag) =	ssettag $0x0;
	lr =	simm.s32 $0x1  }
0x2: {  	[smem:$0x3F9D] =	sst lr;
	_ =	strace $0xD0000000  }
0x3: {  	_ = 	snop  }
0x4: {  	_ = 	snop  }
0x5: {  	_ = 	snop  }
0x6: {  	_ = 	snop  }
0x7: {  	_ = 	snop  }
__scs_overlays_trampoline_lowered:
0x8: {  	[smem:$0x3FAC] =	sst s0  }
0x9: {  	[smem:$0x3FAD] =	sst s1  }
0xa: {  	[smem:$0x3FAE] =	sst s2  }
0xb: {  	[smem:$0x3FAF] =	sst s3  }
0xc: {  	[smem:$0x3FB0] =	sst s4  }
0xd: {  	[smem:$0x3FB1] =	sst s5  }
0xe: {  	[smem:$0x3FB2] =	sst s6  }
0xf: {  	[smem:$0x3FB3] =	sst s7  }
0x10: {  	[smem:$0x3FB4] =	sst s8  }
0x11: {  	[smem:$0x3FB5] =	sst s9;
	s0 =	simm.s32 @!p0 $0x0  }
0x12: {  	s1 =	sld [smem:$0x3F9B];
	s0 =	simm.s32 @p0 $0x1  }
0x13: {  	[smem:$0x3FB6] =	sst s0;
	s0 =	simm.s32 @!p1 $0x0  }
0x14: {  	s2 =	sld [smem:$0x3F9A];
	s0 =	simm.s32 @p1 $0x1  }
0x15: {  	[smem:$0x3FB7] =	sst s0;
	s0 =	simm.s32 @!p2 $0x0  }
0x16: {  	s3 =	sld [smem:$0x3FDB];
	s0 =	simm.s32 @p2 $0x1  }
0x17: {  	s4 =	simm.s32 $0x1BF5;
	[smem:$0x3FB9] =	sst s0  }
0x18: {  	s0 =	sld [smem:$0x3F9C];
	_ =	swait.ge [sflag:s4], $0x0  }
0x19: {  	s7 =	sld [smem:$0x3F9D]  }
0x1a: {  	s8 =	sadd.s32 $0xFFFFE003, lr  }
0x1b: {  	s9 =	sadd.s32 $0xFFFFFEF7, lr;
	s5 =	simm.s32 $0xFFFFFFFF;
	p2 =	slt.u32 s8, $0xFFFFF086  }
0x1c: {  	p1 =	slt.u32 s9, $0xF7A;
	s5 =	simm.s32 @!p2 $0x0  }
0x1d: {  	s5 =	simm.s32 @p1 $0x1;
	p0 =	seq.s32 s7, s2  }
0x1e: {  	s7 =	smul.u32 @!p0 $0xF7A, s2;
	p2 =	seq.s32 @!p0 s5, $0x0  }
0x1f: {  	s9 =	smul.u32 $0xF7A, s1;
	s8 =	simm.s32 @!p0 $0x1BF5;
	p2 =	por !p2, p0  }
0x20: {  	[sflag:s8] =	ssyncset.s32 @!p0 $0xFFFFF086;
	s6 =	sadd.s32 @!p0 s3, s7;
	s7 =	simm.s32 @!p0 $0x108  }
0x21: {  	s3 =	sadd.s32 s3, s9;
	s6 =	sadd.s32 @!p0 $0x88, s6;
	s7 =	simm.s32 @p2 $0x1082  }
0x22: {  	[simem:s7], [sflag:s8] =	dma.local @!p0 [hbm:s6], $0xF7A  }
0x23: {  	s9 =	sor.u32 $0xD0000000, s2;
	s6 =	simm.s32 $0x108;
	_ =	swait.ge @!p0 [sflag:s8], $0x0  }
0x24: {  	s3 =	sadd.s32 $0x88, s3;
	s6 =	simm.s32 @!p1 $0x1082;
	[sflag:s4] =	ssyncset.s32 $0xFFFFF086  }
0x25: {  	[simem:s6], [sflag:s4] =	dma.local [hbm:s3], $0xF7A  }
0x26: {  	[smem:$0x3F9D] =	sst s1;
	(tag) =	ssettag s2;
	_ =	strace s9  }
0x27: {  	s1 =	sld [smem:$0x3FAD]  }
0x28: {  	s2 =	sld [smem:$0x3FAE]  }
0x29: {  	s4 =	sld [smem:$0x3FB0]  }
0x2a: {  	p0 =	seq.s32 s5, $0x0;
	s5 =	sld [smem:$0x3FB1]  }
0x2b: {  	s6 =	sld [smem:$0x3FB2]  }
0x2c: {  	s7 =	sld [smem:$0x3FB3]  }
0x2d: {  	s3 =	simm.s32 $0x108;
	s8 =	sld [smem:$0x3FB4]  }
0x2e: {  	s3 =	simm.s32 @!p0 $0x1082;
	s9 =	sld [smem:$0x3FB5]  }
0x2f: {  	lr =	sadd.s32 s0, s3;
	s0 =	sld [smem:$0x3FAC]  }
0x30: {  	s3 =	sld [smem:$0x3FAF]  }
0x31: {  	[smem:$0x3FB8] =	sst s10  }
0x32: {  	s10 =	sld [smem:$0x3FB6];
	_ =	sdelay $0x3  }
0x33: {  	p0 =	seq.s32 s10, $0x1;
	s10 =	sld [smem:$0x3FB8];
	_ =	sdelay $0x3  }
0x34: {  	[smem:$0x3FB8] =	sst s10  }
0x35: {  	s10 =	sld [smem:$0x3FB7];
	_ =	sdelay $0x3  }
0x36: {  	p1 =	seq.s32 s10, $0x1;
	s10 =	sld [smem:$0x3FB8];
	_ =	sdelay $0x3  }
0x37: {  	[smem:$0x3FB8] =	sst s10  }
0x38: {  	s10 =	sld [smem:$0x3FB9]  }
0x39: {  	_ = 	snop;
	(pc) =	sbr.ind lr, $3  }
0x3a: {  	_ = 	snop  }
0x3b: {  	_ = 	snop  }
0x3c: {  	p2 =	seq.s32 s10, $0x1;
	s10 =	sld [smem:$0x3FB8]  }
0x3d: {  	_ =	shalt  }
0x3e: {  	_ =	shalt  }
0x3f: {  	_ =	shalt  }
0x40: {  	_ =	shalt  }
0x41: {  	_ =	shalt  }
0x42: {  	_ =	shalt  }
0x43: {  	_ =	shalt  }
0x44: {  	_ =	shalt  }
0x45: {  	_ =	shalt  }
0x46: {  	_ =	shalt  }
0x47: {  	_ =	shalt  }
0x48: {  	_ =	shalt  }
0x49: {  	_ =	shalt  }
0x4a: {  	_ =	shalt  }
0x4b: {  	_ =	shalt  }
0x4c: {  	_ =	shalt  }
0x4d: {  	_ =	shalt  }
0x4e: {  	_ =	shalt  }
0x4f: {  	_ =	shalt  }
0x50: {  	_ =	shalt  }
0x51: {  	_ =	shalt  }
0x52: {  	_ =	shalt  }
0x53: {  	_ =	shalt  }
0x54: {  	_ =	shalt  }
0x55: {  	_ =	shalt  }
0x56: {  	_ =	shalt  }
0x57: {  	_ =	shalt  }
0x58: {  	_ =	shalt  }
0x59: {  	_ =	shalt  }
0x5a: {  	_ =	shalt  }
0x5b: {  	_ =	shalt  }
0x5c: {  	_ =	shalt  }
0x5d: {  	_ =	shalt  }
0x5e: {  	_ =	shalt  }
0x5f: {  	_ =	shalt  }
0x60: {  	_ =	shalt  }
0x61: {  	_ =	shalt  }
0x62: {  	_ =	shalt  }
0x63: {  	_ =	shalt  }
0x64: {  	_ =	shalt  }
0x65: {  	_ =	shalt  }
0x66: {  	_ =	shalt  }
0x67: {  	_ =	shalt  }
0x68: {  	_ =	shalt  }
0x69: {  	_ =	shalt  }
0x6a: {  	_ =	shalt  }
0x6b: {  	_ =	shalt  }
0x6c: {  	_ =	shalt  }
0x6d: {  	_ =	shalt  }
0x6e: {  	_ =	shalt  }
0x6f: {  	_ =	shalt  }
0x70: {  	_ =	shalt  }
0x71: {  	_ =	shalt  }
0x72: {  	_ =	shalt  }
0x73: {  	_ =	shalt  }
0x74: {  	_ =	shalt  }
0x75: {  	_ =	shalt  }
0x76: {  	_ =	shalt  }
0x77: {  	_ =	shalt  }
0x78: {  	_ =	shalt  }
0x79: {  	_ =	shalt  }
0x7a: {  	_ =	shalt  }
0x7b: {  	_ =	shalt  }
0x7c: {  	_ =	shalt  }
0x7d: {  	_ =	shalt  }
0x7e: {  	_ =	shalt  }
0x7f: {  	_ =	shalt  }
0x80: {  	_ =	shalt  }
0x81: {  	_ =	shalt  }
0x82: {  	_ =	shalt  }
0x83: {  	_ =	shalt  }
0x84: {  	_ =	shalt  }
0x85: {  	_ =	shalt  }
0x86: {  	_ =	shalt  }
0x87: {  	_ =	shalt  }
.Lfunc_end0:
.L_simem_size_0:
called_computation_lowered:
.L_overlay_start_0:
0x88: {  	s2 =	sld [smem:$0x3FD9]  }
0x89: {  	s3 =	sld [smem:$0x3FFE];
	_ =	sdelay $0x1  }
0x8a: {  	s1 =	srdreg.scid  }
0x8b: {  	s0 =	sand.u32 $0x1, s1  }
0x8c: {  	s17 =	sshll.u32 s0, $0xA;
	s2 =	sadd.s32 s3, s2  }
0x8d: {  	s2 =	sadd.s32 s2, s17  }
0x8e: {  	[smem:$0x3FC4] =	sst s2  }
0x8f: {  	_ = 	snop  }
0x90: {  	(tm) =	ssettm $0x1  }
0x91: {  	s18 =	sld [smem:$0x3FFB];
	_ =	sdelay $0x3  }
0x92: {  	_ =	strace s18  }
0x93: {  	s2 =	sld [smem:$0x3FFC];
	_ =	sdelay $0x3  }
0x94: {  	_ =	strace s2  }
0x95: {  	s2 =	sld [smem:$0x3FFD];
	_ =	sdelay $0x3  }
0x96: {  	_ =	strace s2  }
0x97: {  	_ =	strace $0x8FFFFFFF  }
0x98: {  	s19 =	sld [smem:$0x3FDB];
	_ =	sdelay $0x1  }
0x99: {  	s20 =	simm.s32 $_scs_section_size  }
0x9a: {  	s4 =	simm.s32 $_size__tile_overlayer_lowered;
	s5 =	simm.s32 $_tile_overlayer_lowered  }
0x9b: {  	s6 =	simm.s32 $0x1BFF;
	s21 =	sshll.u32 s5, $0x1;
	s3 =	sadd.s32 s20, s19  }
0x9c: {  	s22 =	simm.s32 $0x0;
	s4 =	sshll.u32 s4, $0x1;
	s5 =	sadd.s32 s21, s3  }
0x9d: {  	[timem:s22], [sflag:s6] =	dma.local [hbm:s5], s4  }
0x9e: {  	_ =	swait.ge [sflag:s6], s4  }
0x9f: {  	s4 =	ssub.s32 $0x0, s4;
	[sflag:s6] =	ssyncset.done $0x0  }
0xa0: {  	[sflag:s6] =	ssyncadd.s32 s4;
	_ =	sdelay $0x1  }
0xa1: {  	s23 =	simm.s32 $0x1B8B  }
0xa2: {  	_ =	swait.ge [sflag:s23], $0x1  }
0xa3: {  	[sflag:s23] =	ssyncset.done $0x0  }
0xa4: {  	[sflag:s23] =	ssyncadd.s32 $0xFFFFFFFF  }
0xa5: {  	s4 =	sld [smem:$0x0]  }
0xa6: {  	s5 =	sand.u32 $0xFFFFFFFE, s1  }
0xa7: {  	p0 =	sne.s32 s1, s5  }
0xa8: {  	s5 =	sshll.u32 @p0 s5, $0xE  }
0xa9: {  	s5 =	sadd.s32 @p0 $0x11B8D, s5;
	s6 =	sshll.u32 @p0 s4, $0x11  }
0xaa: {  	s5 =	sor.u32 @p0 s6, s5  }
0xab: {  	[sflag:s5] =	ssyncadd.remote.s32 @p0 $0x1;
	_ =	sdelay $0x1  }
0xac: {  	s5 =	simm.s32 @p0 $0x1B8D  }
0xad: {  	_ =	swait.eq @p0 [sflag:s5], $0x1  }
0xae: {  	[sflag:s5] =	ssyncadd.s32 @p0 $0xFFFFFFFF  }
0xaf: {  	s6 =	sshll.u32 @!p0 s1, $0xE  }
0xb0: {  	s6 =	sor.u32 @!p0 $0x4000, s6;
	s5 =	simm.s32 @!p0 $0x1B8D  }
0xb1: {  	s4 =	sshll.u32 @!p0 s4, $0x11;
	s6 =	sadd.s32 @!p0 $0x11B8D, s6;
	_ =	swait.eq @!p0 [sflag:s5], $0x1  }
0xb2: {  	s4 =	sor.u32 @!p0 s4, s6;
	[sflag:s5] =	ssyncadd.s32 @!p0 $0xFFFFFFFF  }
0xb3: {  	s25 =	simm.s32 $0x1B8E;
	s24 =	sld [smem:$0x3FFE];
	[sflag:s4] =	ssyncadd.remote.s32 @!p0 $0x1  }
0xb4: {  	s26 =	simm.s32 $execute0_lowered;
	[smem:$0x3FD2] =	sst s25  }
0xb5: {  	s5 =	sshll.u32 s26, $0x1;
	_ =	strace $0x80000049;
	[dreg:$0x1] =	wrdreg $0xFFFFFFFF  }
0xb6: {  	s28 =	simm.s32 $_size_execute0_lowered;
	s3 =	sadd.s32 s3, s5;
	[dreg:$0x0] =	wrdreg $0x0  }
0xb7: {  	s5 =	sshll.u32 s28, $0x1;
	[dreg:$0x2] =	wrdreg s3  }
0xb8: {  	[dreg:$0x3] =	wrdreg s5  }
0xb9: {  	[dreg:$0x4] =	wrdreg $0xC0  }
0xba: {  	_ =	task [dreg:s22], $0x5FFFF  }
0xbb: {  	[dreg:$0x1] =	wrdreg $0xFFFFFFFF  }
0xbc: {  	[dreg:$0x0] =	wrdreg $0x60  }
0xbd: {  	[dreg:$0x2] =	wrdreg s24  }
0xbe: {  	[dreg:$0x3] =	wrdreg $0x9  }
0xbf: {  	_ =	task.clear_ibuf [dreg:s22], $0x4FFFF;
	_ =	strace $0x90000049  }
0xc0: {  	s29 =	simm.s32 $0x9;
	_ =	strace $0x8000004B  }
0xc1: {  	_ =	swait.ge [sflag:s29], $0x1  }
0xc2: {  	[sflag:s29] =	ssyncadd.s32 $0xFFFFFFFF  }
0xc3: {  	_ =	strace $0x9000004B  }
0xc4: {  	_ =	sfence  }
0xc5: {  	s30 =	sld [smem:$0x0];
	_ =	sdelay $0x2  }
0xc6: {  	s31 =	sshll.u32 s1, $0xD;
	s1 =	sshrl.u32 s1, $0x2  }
0xc7: {  	s4 =	sand.u32 $0x4000, s31;
	s1 =	sadd.s32 s1, s30  }
0xc8: {  	s0 =	sor.u32 s4, s0;
	s1 =	sshll.u32 s1, $0x11  }
0xc9: {  	s0 =	sor.u32 s1, s0  }
0xca: {  	s0 =	sadd.s32 $0x8F2B, s0  }
0xcb: {  	[sflag:s0] =	ssyncadd.remote.s32 $0x1  }
0xcc: {  	_ =	sfence.sel $0xFFFF  }
0xcd: {  	[dreg:$0x0] =	wrdreg $0xFFFFFFFF;
	(pc) =	sbr.abs _section_cstart, $3  }
0xce: {  	[dreg:$0x1] =	wrdreg $0xFFFFFFFF  }
0xcf: {  	_ =	task.clear_ibuf [dreg:s22], $0x2FFFF;
	_ =	strace $0x9FFFFFFF  }
0xd0: {  	(tm) =	ssettm $0x7FFFFFFF  }
0xd1: {  	_ =	shalt  }
tec
execute0_lowered:
.L_overlay_start_1:
0x0: {  	(tag) =	ssettag $0x1  }
0x1: {  	s1 =	srdreg.scid  }
0x2: {  	s0 =	stileid.u32;
	s3 =	rddreg [dreg:$0x0];
	s2 =	simm.s32 $0x0  }
0x3: {  	s8 =	simm.s32 $0x8000;
	s9 =	simm.s32 $0xC800;
	s10 =	simm.s32 $0x80  }
0x4: {  	s11 =	simm.s32 $0x100;
	s4 =	sand.u32 $0x1, s1;
	s5 =	sshll.u32 s0, $0x1  }
0x5: {  	s12 =	simm.s32 $0x2;
	s1 =	rddreg [dreg:$0x1];
	s5 =	sor.u32 s4, s5  }
0x6: {  	s13 =	simm.s32 $0x0;
	[smem:$0x7FF] =	sst s2;
	s6 =	smul.u32 $0x1200, s5  }
0x7: {  	_ =	strace $0x8000004A;
	s4 =	ssub.s32 $0x2, s4;
	s5 =	sshll.u32 s5, $0xC  }
0x8: {  	s31 =	sshrl.u32 s4, $0x1;
	s5 =	sadd.s32 s5, s3;
	s6 =	sadd.s32 s6, s3  }
0x9: {  	v1 =	vlaneseq.u32;
	s7 =	ssub.s32 s4, s31;
	s3 =	sadd.s32 $0x45200, s5;
	s4 =	sadd.s32 $0x65200, s6  }
0xa: {  	v0 =	vimm.f32 $0.0e+00;
	v2 =	vimm.f32 $1.000000000e+00;
	v1 =	vor.u32 $0xFFFE2C00, v1;
	s5 =	sadd.s32 $0x65210, s6;
	s6 =	smax.u32 s7, $0x1;
	s7 =	simm.s32 $0x1  }
.LBB2_1:
0xb: {  	[tilespmem:s2], [sflag:$0x1] =	stream.linear.gather [hbm4b:s3+s2], $0x8000, $0x38;
	[tilespmem:$0x11000] =	vst v63  }
0xc: {  	s14 =	simm.s32 $0x0;
	s15 =	simm.s32 $0x100  }
.LBB2_2:
0xd: {  	p0 =	sne.s32 s15, $0x11F00;
	[tilespmem:s14+$0xC830] =	vst v0  }
0xe: {  	[tilespmem:s14+$0x8000] =	vst v0  }
0xf: {  	[tilespmem:s14+$0xC800] =	vst v0  }
.Ltmp0:
0x10: {  	[tilespmem:s14+$0x8010] =	vst v0;
	(pc) =	sbr.rel @p0 .LBB2_2-.Ltmp0, $4  }
0x11: {  	[tilespmem:s14+$0xC810] =	vst v0  }
0x12: {  	[tilespmem:s14+$0x8020] =	vst v0  }
0x13: {  	[tilespmem:s14+$0xC820] =	vst v0  }
0x14: {  	[tilespmem:s14+$0x8030] =	vst v0;
	s14 =	sshra.s32 s15, $0x2;
	s15 =	sadd.s32 $0x100, s15  }
0x15: {  	[tilespmem:s14+$0xC830] =	vst v0  }
0x16: {  	[tilespmem:s14+$0x8000] =	vst v0  }
0x17: {  	[tilespmem:s14+$0xC800] =	vst v0  }
0x18: {  	[tilespmem:s14+$0x8010] =	vst v0  }
0x19: {  	[tilespmem:s14+$0xC810] =	vst v0  }
0x1a: {  	[tilespmem:s14+$0x8020] =	vst v0  }
0x1b: {  	[tilespmem:s14+$0xC820] =	vst v0  }
0x1c: {  	[tilespmem:s14+$0x8030] =	vst v0  }
0x1d: {  	_ =	swait.ge [sflag:s7], $0x8000  }
0x1e: {  	[sflag:s7] =	ssyncset.done $0x0  }
0x1f: {  	s14 =	simm.s32 $0x0;
	[sflag:s7] =	ssyncadd.s32 $0xFFFF8000  }
.LBB2_4:
0x20: {  	s15 =	sshra.s32 s14, $0x2  }
0x21: {  	v3 =	vld [tilespmem:s15+$0x0];
	_ =	sdelay $0x4  }
0x22: {  	v4 =	vshrl.u32 v3, $0x11  }
0x23: {  	v4 =	vmax.u32 v4, $0x1D40  }
0x24: {  	v4 =	vmin.u32 v4, $0x21BF  }
0x25: {  	v4 =	vshll.u32 v4, $0x4  }
0x26: {  	v4 =	vadd.s32 v1, v4;
	_ =	sdelay $0x4  }
0x27: {  	[tilespmem:v4+s8+$0x0] =	vst.idx.add.f32.msk $0xffff, v2  }
0x28: {  	[tilespmem:v4+s9+$0x0] =	vst.idx.add.f32.msk $0xffff, v3  }
0x29: {  	v3 =	vld [tilespmem:s15+$0x10];
	_ =	sdelay $0x4  }
0x2a: {  	v57 =	vshrl.u32 v3, $0x11  }
0x2b: {  	v4 =	vmax.u32 v57, $0x1D40  }
0x2c: {  	v4 =	vmin.u32 v4, $0x21BF  }
0x2d: {  	v4 =	vshll.u32 v4, $0x4  }
0x2e: {  	v4 =	vadd.s32 v1, v4;
	_ =	sdelay $0x4  }
0x2f: {  	[tilespmem:v4+s8+$0x0] =	vst.idx.add.f32.msk $0xffff, v2  }
0x30: {  	[tilespmem:v4+s9+$0x0] =	vst.idx.add.f32.msk $0xffff, v3  }
0x31: {  	v3 =	vld [tilespmem:s15+$0x20];
	_ =	sdelay $0x4  }
0x32: {  	v58 =	vshrl.u32 v3, $0x11  }
0x33: {  	v4 =	vmax.u32 v58, $0x1D40  }
0x34: {  	v4 =	vmin.u32 v4, $0x21BF  }
0x35: {  	v4 =	vshll.u32 v4, $0x4  }
0x36: {  	v4 =	vadd.s32 v1, v4;
	_ =	sdelay $0x4  }
0x37: {  	[tilespmem:v4+s8+$0x0] =	vst.idx.add.f32.msk $0xffff, v2  }
0x38: {  	[tilespmem:v4+s9+$0x0] =	vst.idx.add.f32.msk $0xffff, v3  }
0x39: {  	v3 =	vld [tilespmem:s15+$0x30];
	_ =	sdelay $0x4  }
0x3a: {  	v59 =	vshrl.u32 v3, $0x11  }
0x3b: {  	v4 =	vmax.u32 v59, $0x1D40  }
0x3c: {  	v4 =	vmin.u32 v4, $0x21BF  }
0x3d: {  	v4 =	vshll.u32 v4, $0x4  }
0x3e: {  	v4 =	vadd.s32 v1, v4;
	_ =	sdelay $0x4  }
0x3f: {  	[tilespmem:v4+s8+$0x0] =	vst.idx.add.f32.msk $0xffff, v2  }
0x40: {  	[tilespmem:v4+s9+$0x0] =	vst.idx.add.f32.msk $0xffff, v3  }
0x41: {  	v3 =	vld [tilespmem:s15+$0x40];
	_ =	sdelay $0x4  }
0x42: {  	v60 =	vshrl.u32 v3, $0x11  }
0x43: {  	v4 =	vmax.u32 v60, $0x1D40  }
0x44: {  	v4 =	vmin.u32 v4, $0x21BF  }
0x45: {  	v4 =	vshll.u32 v4, $0x4  }
0x46: {  	v4 =	vadd.s32 v1, v4;
	_ =	sdelay $0x4  }
0x47: {  	[tilespmem:v4+s8+$0x0] =	vst.idx.add.f32.msk $0xffff, v2  }
0x48: {  	[tilespmem:v4+s9+$0x0] =	vst.idx.add.f32.msk $0xffff, v3  }
0x49: {  	v3 =	vld [tilespmem:s15+$0x50];
	_ =	sdelay $0x4  }
0x4a: {  	v61 =	vshrl.u32 v3, $0x11  }
0x4b: {  	v4 =	vmax.u32 v61, $0x1D40  }
0x4c: {  	v4 =	vmin.u32 v4, $0x21BF  }
0x4d: {  	v4 =	vshll.u32 v4, $0x4  }
0x4e: {  	v4 =	vadd.s32 v1, v4;
	_ =	sdelay $0x4  }
0x4f: {  	[tilespmem:v4+s8+$0x0] =	vst.idx.add.f32.msk $0xffff, v2  }
0x50: {  	[tilespmem:v4+s9+$0x0] =	vst.idx.add.f32.msk $0xffff, v3  }
0x51: {  	v3 =	vld [tilespmem:s15+$0x60];
	_ =	sdelay $0x4  }
0x52: {  	v62 =	vshrl.u32 v3, $0x11  }
0x53: {  	v4 =	vmax.u32 v62, $0x1D40  }
0x54: {  	v4 =	vmin.u32 v4, $0x21BF  }
0x55: {  	v4 =	vshll.u32 v4, $0x4  }
0x56: {  	v4 =	vadd.s32 v1, v4;
	_ =	sdelay $0x4  }
0x57: {  	[tilespmem:v4+s8+$0x0] =	vst.idx.add.f32.msk $0xffff, v2  }
0x58: {  	[tilespmem:v4+s9+$0x0] =	vst.idx.add.f32.msk $0xffff, v3  }
0x59: {  	v3 =	vld [tilespmem:s15+$0x70];
	_ =	sdelay $0x4  }
0x5a: {  	v63 =	vshrl.u32 v3, $0x11  }
0x5b: {  	v4 =	vmax.u32 v63, $0x1D40  }
0x5c: {  	v4 =	vmin.u32 v4, $0x21BF  }
0x5d: {  	v4 =	vshll.u32 v4, $0x4  }
0x5e: {  	v4 =	vadd.s32 v1, v4  }
0x5f: {  	p0 =	sne.s32 s14, $0x1FE00  }
.Ltmp1:
0x60: {  	_ = 	snop;
	(pc) =	sbr.rel @p0 .LBB2_4-.Ltmp1, $3  }
0x61: {  	_ =	sdelay $0x1  }
0x62: {  	[tilespmem:v4+s8+$0x0] =	vst.idx.add.f32.msk $0xffff, v2  }
0x63: {  	s14 =	sadd.s32 $0x200, s14;
	[tilespmem:v4+s9+$0x0] =	vst.idx.add.f32.msk $0xffff, v3  }
0x64: {  	[hbm4b:s4+s10] =	stream.strided.scatter [tilespmem:s8], [sflag:$0x2], $0x4800, s11, s10, $0x38;
	[tilespmem:$0x11000] =	vst v63  }
0x65: {  	s13 =	sadd.s32 $0x1, s13;
	_ =	swait.ge [sflag:s12], $0x4800  }
0x66: {  	p0 =	sne.s32 s13, s6;
	[sflag:s12] =	ssyncset.done $0x0  }
.Ltmp2:
0x67: {  	[sflag:s12] =	ssyncadd.s32 $0xFFFFB800;
	(pc) =	sbr.rel @p0 .LBB2_1-.Ltmp2, $4  }
0x68: {  	[hbm4b:s5+s10] =	stream.strided.scatter [tilespmem:s9], [sflag:$0x2], $0x4800, s11, s10, $0x38;
	[tilespmem:$0x11000] =	vst v63  }
0x69: {  	_ =	swait.ge [sflag:s12], $0x4800  }
0x6a: {  	[sflag:s12] =	ssyncset.done $0x0  }
0x6b: {  	[sflag:s12] =	ssyncadd.s32 $0xFFFFB800  }
0x6c: {  	_ =	sfence.sel $0x180000  }
0x6d: {  	[bflag:$0x0] =	sbarrier.arrive $0xFFFF  }
0x6e: {  	p0 =	sne.s32 s0, $0x0;
	_ =	strace $0x9000004A  }
0x6f: {  	s0 =	sadd.s32 @!p0 $0x100000, s1;
	[bflag:$0x2] =	sbarrier.arrive $0xFFFF  }
0x70: {  	[sflag:s0] =	ssyncadd.tile.s32 @!p0 $0x1;
	_ =	shalt  }
.Lfunc_end2:
_tile_overlayer_lowered:
.L_overlay_start_2:
0x71: {  	(tag) =	ssettag $0x2  }
0x72: {  	s0 =	rddreg [dreg:$0x0];
	s2 =	stileid.u32  }
0x73: {  	s1 =	rddreg [dreg:$0x1];
	p0 =	sne.s32 s2, $0x0  }
0x74: {  	s3 =	rddreg [dreg:$0x2];
	[bflag:$0x3] =	sbarrier.arrive $0xFFFF;
	s2 =	simm.s32 @!p0 $0x1C02  }
0x75: {  	[timem:s3], [sflag:s2] =	dma.local @!p0 [hbm:s0], s1  }
0x76: {  	s0 =	simm.s32 @!p0 $0x2  }
0x77: {  	_ =	swait.ge @!p0 [sflag:s0], s1  }
0x78: {  	s1 =	ssub.s32 @!p0 $0x0, s1;
	[sflag:s0] =	ssyncset.done @!p0 $0x0  }
0x79: {  	[sflag:s0] =	ssyncadd.s32 @!p0 s1  }
0x7a: {  	[bflag:$0x3] =	sbarrier.arrive $0xFFFF  }
0x7b: {  	_ =	shalt  }

</sc_bundles>
